<compile_context>
chip_gen: v7x
topology: tpu7x:2x2x1
jax: 0.10.2.dev20260603
libtpu: 0.0.44.dev20260713+nightly
codegen_flags: <defaults>
</compile_context>

<pallas_src>
import jax
import jax.numpy as jnp
from jax import lax
from jax.experimental import pallas as pl
from jax.experimental.pallas import tpu as pltpu
from jax.experimental.pallas import tpu_sc as plsc

N = 10000
E = 320000
D = 128
NC = 2
NS = 16
NW = NC * NS
E_PER_W = E // NW
BE = 80
NCH = E_PER_W // BE
ROWS_PER_W = N // NS
ZR = 125
DN_PER_W = 640
ND = NS * DN_PER_W


def _tc_prep_body(x_ref, w_ref, a2_ref, m_ref, z_ref, g_ref):
    m = jnp.dot(x_ref[...], w_ref[...], preferred_element_type=jnp.float32)
    m_ref[...] = m
    z = jnp.dot(m, a2_ref[...], preferred_element_type=jnp.float32)
    z_ref[...] = z
    c = jnp.max(z[:, 0]) + jnp.max(z[:, 1])
    c = jnp.where(c >= 0.0, c, 0.2 * c)
    g_ref[...] = jnp.full((8, 128), c, dtype=jnp.float32)


def _sc_edge_body(z_hbm, g_hbm, ei_hbm, ej_hbm, m_hbm, out_hbm, den_hbm,
                  zv, gv, iiv, ijv, rows, wv, zbuf, zdbuf, acc, dn, gsem):
    cid = lax.axis_index("c")
    sid = lax.axis_index("s")
    wid = cid * NS + sid

    pltpu.sync_copy(z_hbm, zv)
    pltpu.sync_copy(g_hbm, gv)

    @pl.loop(0, ZR)
    def _zero_rows(r):
        for v in range(D // 16):
            zbuf[r, pl.ds(v * 16, 16)] = jnp.zeros((16,), jnp.float32)

    @pl.loop(0, DN_PER_W // 16)
    def _zero_den(r):
        zdbuf[pl.ds(r * 16, 16)] = jnp.zeros((16,), jnp.float32)

    row0 = sid * ROWS_PER_W
    for t in range(ROWS_PER_W // ZR):
        pltpu.sync_copy(zbuf, acc.at[pl.ds(row0 + t * ZR, ZR)])
    pltpu.sync_copy(zdbuf, dn.at[pl.ds(sid * DN_PER_W, DN_PER_W)])
    plsc.subcore_barrier()

    gamma = gv[...]
    ebase = wid * E_PER_W

    @pl.loop(0, NCH)
    def _chunk(ch):
        base = ebase + ch * BE
        pltpu.sync_copy(ei_hbm.at[pl.ds(base, BE)], iiv.at[0])
        pltpu.sync_copy(ej_hbm.at[pl.ds(base, BE)], ijv.at[0])
        gather = pltpu.async_copy(m_hbm.at[ijv.at[0]], rows.at[0], gsem)
        for g in range(BE // 16):
            iv = iiv[0, pl.ds(g * 16, 16)]
            jv = ijv[0, pl.ds(g * 16, 16)]
            s = plsc.load_gather(zv, [iv * 2])
            d = plsc.load_gather(zv, [jv * 2 + 1])
            e = s + d
            e = jnp.where(e >= 0.0, e, e * 0.2)
            wv[pl.ds(g * 16, 16)] = jnp.exp(e - gamma)
        gather.wait()

        @pl.loop(0, BE)
        def _scale(k):
            wk = plsc.load_gather(wv, [jnp.full((16,), k, jnp.int32)])
            for v in range(D // 16):
                sl = pl.ds(v * 16, 16)
                rows[0, k, sl] = rows[0, k, sl] * wk

        pltpu.sync_copy(rows.at[0], acc.at[iiv.at[0]], add=True)
        pltpu.sync_copy(wv, dn.at[iiv.at[0]], add=True)

    plsc.subcore_barrier()
    for t in range(ROWS_PER_W // ZR):
        r = row0 + t * ZR
        pltpu.sync_copy(acc.at[pl.ds(r, ZR)], zbuf)
        pltpu.sync_copy(zbuf, out_hbm.at[cid, pl.ds(r, ZR)])
    d0 = sid * DN_PER_W
    pltpu.sync_copy(dn.at[pl.ds(d0, DN_PER_W)], zdbuf)
    pltpu.sync_copy(zdbuf, den_hbm.at[cid, pl.ds(d0, DN_PER_W)])


def _make_sc_kernel():
    mesh = plsc.VectorSubcoreMesh(
        core_axis_name="c", subcore_axis_name="s",
        num_cores=NC, num_subcores=NS)
    return pl.kernel(
        _sc_edge_body,
        out_type=(
            jax.ShapeDtypeStruct((NC, N, D), jnp.float32),
            jax.ShapeDtypeStruct((NC, ND), jnp.float32),
        ),
        mesh=mesh,
        scratch_types=[
            pltpu.VMEM((2 * N,), jnp.float32),
            pltpu.VMEM((16,), jnp.float32),
            pltpu.VMEM((1, BE), jnp.int32),
            pltpu.VMEM((1, BE), jnp.int32),
            pltpu.VMEM((1, BE, D), jnp.float32),
            pltpu.VMEM((BE,), jnp.float32),
            pltpu.VMEM((ZR, D), jnp.float32),
            pltpu.VMEM((DN_PER_W,), jnp.float32),
            pltpu.VMEM_SHARED((N, D), jnp.float32),
            pltpu.VMEM_SHARED((ND,), jnp.float32),
            pltpu.SemaphoreType.DMA,
        ],
        compiler_params=pltpu.CompilerParams(
            use_tc_tiling_on_sc=False, needs_layout_passes=False),
    )


def _tc_combine_body(p_ref, d_ref, o_ref):
    num = p_ref[0] + p_ref[1]
    den = d_ref[0, :N] + d_ref[1, :N]
    safe = jnp.where(den > 0.0, den, 1.0)
    o_ref[...] = jnp.maximum(num / safe[:, None], 0.0)


def kernel(x_source, edge_index, W, a):
    a2 = a.reshape(2, D).T

    m, z, g = pl.pallas_call(
        _tc_prep_body,
        out_shape=(
            jax.ShapeDtypeStruct((N, D), jnp.float32),
            jax.ShapeDtypeStruct((N, 2), jnp.float32),
            jax.ShapeDtypeStruct((8, 128), jnp.float32),
        ),
    )(x_source, W, a2)

    zflat = z.reshape(2 * N)
    g16 = g[0, :16]
    ei = edge_index[0]
    ej = edge_index[1]

    partials, dens = _make_sc_kernel()(zflat, g16, ei, ej, m)

    out = pl.pallas_call(
        _tc_combine_body,
        out_shape=jax.ShapeDtypeStruct((N, D), jnp.float32),
    )(partials, dens)
    return out

# --- scband reference (transcript-rebuilt; emitter-appended) ---
"""Pipeline reference for scband-hbs-28338194219185 (READ-ONLY COPY).

The authoritative reference and input builder live on the scoring server;
editing this copy changes nothing except your own understanding.
"""

import jax, jax.numpy as jnp
import numpy as np

N = 10000
E = 320000
D_IN = 128
D_OUT = 128
NEG_SLOPE = 0.2
GAIN = 1.414


def _xavier_uniform(key, shape, gain):
    fan_in, fan_out = shape[0], shape[1]
    limit = gain * np.sqrt(6.0 / (fan_in + fan_out))
    return jax.random.uniform(key, shape, dtype=jnp.float32, minval=-limit, maxval=limit)


def setup_inputs(seed: int = 0) -> dict:
    key = jax.random.key(seed)
    k1, k2, k3, k4 = jax.random.split(key, 4)
    x_source = jax.random.normal(k1, (N, D_IN), dtype=jnp.float32)
    # neighborhood matrix represented as COO indices with implicit values of 1.0
    edge_index = jax.random.randint(k2, (2, E), 0, N, dtype=jnp.int32)
    # learnable parameters (m_hop=1 -> single W_p and a_p)
    W = _xavier_uniform(k3, (D_IN, D_OUT), GAIN)
    a = _xavier_uniform(k4, (2 * D_OUT, 1), GAIN)
    return {"x_source": x_source, "edge_index": edge_index, "W": W, "a": a}


def reference(x_source, edge_index, W, a):
    # message_p = X @ W_p
    message = x_source @ W
    i = edge_index[0]
    j = edge_index[1]
    # e_{i,j} = LeakyReLU([X_i W || X_j W] a)
    s_to_s = jnp.concatenate([message[i], message[j]], axis=1)  # [E, 2*D_OUT]
    e = jax.nn.leaky_relu(jnp.squeeze(s_to_s @ a, axis=1), negative_slope=NEG_SLOPE)  # [E]
    # sparse softmax over rows (softmax=True): segment softmax keyed by source index i
    e_max = jax.ops.segment_max(e, i, num_segments=N)
    e_exp = jnp.exp(e - e_max[i])
    denom = jax.ops.segment_sum(e_exp, i, num_segments=N)
    att = e_exp / denom[i]  # [E]
    # Hadamard with neighborhood values (all ones) then sparse mm: out[i] += att * message[j]
    out = jnp.zeros((N, D_OUT), dtype=x_source.dtype).at[i].add(att[:, None] * message[j])
    # update_func = relu
    return jax.nn.relu(out)

if __name__ == "__main__":
    import jax
    _d = setup_inputs()
    print(jax.jit(kernel)(*tuple(_d.values())))

</pallas_src>

<mosaic_0001>
#map = affine_map<(d0, d1) -> (0)>
#map1 = affine_map<(d0, d1) -> (0, 0)>
#map2 = affine_map<(d0, d1) -> (0, 0, 0)>
module attributes {stable_mosaic.version = 14 : i64} {
  func.func @_sc_edge_body(%arg0: i32, %arg1: i32, %arg2: memref<20000xf32, #tpu.memory_space<hbm>>, %arg3: memref<16xf32, #tpu.memory_space<hbm>>, %arg4: memref<320000xi32, #tpu.memory_space<hbm>>, %arg5: memref<320000xi32, #tpu.memory_space<hbm>>, %arg6: memref<10000x128xf32, #tpu.memory_space<hbm>>, %arg7: memref<2x10000x128xf32, #tpu.memory_space<hbm>>, %arg8: memref<2x10240xf32, #tpu.memory_space<hbm>>, %arg9: memref<20000xf32, #tpu.memory_space<vmem>>, %arg10: memref<16xf32, #tpu.memory_space<vmem>>, %arg11: memref<1x80xi32, #tpu.memory_space<vmem>>, %arg12: memref<1x80xi32, #tpu.memory_space<vmem>>, %arg13: memref<1x80x128xf32, #tpu.memory_space<vmem>>, %arg14: memref<80xf32, #tpu.memory_space<vmem>>, %arg15: memref<125x128xf32, #tpu.memory_space<vmem>>, %arg16: memref<640xf32, #tpu.memory_space<vmem>>, %arg17: memref<10000x128xf32, #tpu.memory_space<vmem_shared>>, %arg18: memref<10240xf32, #tpu.memory_space<vmem_shared>>, %arg19: memref<!tpu.dma_semaphore, #tpu.memory_space<semaphore_mem>>) attributes {dimension_semantics = [#tpu.dimension_semantics<core_parallel>, #tpu.dimension_semantics<subcore_parallel>], iteration_bounds = array<i64: 2, 16>, scalar_prefetch = 0 : i64, scratch_operands = 11 : i64, tpu.core_type = #tpu.core_type<sc_vector_subcore>, window_params = [{transform_indices = #map}, {transform_indices = #map}, {transform_indices = #map}, {transform_indices = #map}, {transform_indices = #map1}, {transform_indices = #map2}, {transform_indices = #map1}]} {
    %mul3A = arith.constant 16 : i32
    %mul3A_0 = arith.muli %arg0, %mul3A : i32
    %add3A = arith.addi %mul3A_0, %arg1 : i32
    "tpu.region"() ({
      %run_scoped3A = tpu.sem_alloc : memref<!tpu.dma_semaphore, #tpu.memory_space<semaphore_mem>>
      tpu.enqueue_dma source(%arg2 : memref<20000xf32, #tpu.memory_space<hbm>>) target(%arg9 : memref<20000xf32, #tpu.memory_space<vmem>>) target_semaphore(%run_scoped3A : memref<!tpu.dma_semaphore, #tpu.memory_space<semaphore_mem>>)
      tpu.wait_dma2 semaphore(%run_scoped3A : memref<!tpu.dma_semaphore, #tpu.memory_space<semaphore_mem>>) src(%arg2 : memref<20000xf32, #tpu.memory_space<hbm>>) dst(%arg9 : memref<20000xf32, #tpu.memory_space<vmem>>)
      tpu.yield
    }) : () -> ()
    "tpu.region"() ({
      %run_scoped3A = tpu.sem_alloc : memref<!tpu.dma_semaphore, #tpu.memory_space<semaphore_mem>>
      tpu.enqueue_dma source(%arg3 : memref<16xf32, #tpu.memory_space<hbm>>) target(%arg10 : memref<16xf32, #tpu.memory_space<vmem>>) target_semaphore(%run_scoped3A : memref<!tpu.dma_semaphore, #tpu.memory_space<semaphore_mem>>)
      tpu.wait_dma2 semaphore(%run_scoped3A : memref<!tpu.dma_semaphore, #tpu.memory_space<semaphore_mem>>) src(%arg3 : memref<16xf32, #tpu.memory_space<hbm>>) dst(%arg10 : memref<16xf32, #tpu.memory_space<vmem>>)
      tpu.yield
    }) : () -> ()
    %scan3A = arith.constant 0 : i32
    %scan3A_1 = arith.constant 125 : i32
    %scan3A_2 = arith.addi %scan3A, %scan3A_1 : i32
    %scan3A_3 = arith.constant 1 : i32
    scf.for %scan3A_45 = %scan3A to %scan3A_2 step %scan3A_3  : i32 {
      %mul3A_46 = arith.constant 1 : i32
      %mul3A_47 = arith.muli %scan3A_45, %mul3A_46 : i32
      %add3A_48 = arith.constant 0 : i32
      %add3A_49 = arith.addi %add3A_48, %mul3A_47 : i32
      %broadcast_in_dim3A = arith.constant 0.000000e+00 : f32
      %broadcast_in_dim3A_50 = vector.broadcast %broadcast_in_dim3A : f32 to vector<16xf32>
      %swap3A = arith.index_cast %add3A_49 : i32 to index
      %swap3A_51 = arith.constant 0 : index
      %swap3A_52 = tpu.vector_load %arg15[%swap3A, %swap3A_51] {strides = array<i32>} : memref<125x128xf32, #tpu.memory_space<vmem>>, vector<16xf32>,
      tpu.vector_store %arg15[%swap3A, %swap3A_51], %broadcast_in_dim3A_50 {strides = array<i32>} : memref<125x128xf32, #tpu.memory_space<vmem>>, vector<16xf32>,
      %broadcast_in_dim3A_53 = arith.constant 0.000000e+00 : f32
      %broadcast_in_dim3A_54 = vector.broadcast %broadcast_in_dim3A_53 : f32 to vector<16xf32>
      %swap3A_55 = arith.index_cast %add3A_49 : i32 to index
      %swap3A_56 = arith.constant 16 : index
      %swap3A_57 = tpu.vector_load %arg15[%swap3A_55, %swap3A_56] {strides = array<i32>} : memref<125x128xf32, #tpu.memory_space<vmem>>, vector<16xf32>,
      tpu.vector_store %arg15[%swap3A_55, %swap3A_56], %broadcast_in_dim3A_54 {strides = array<i32>} : memref<125x128xf32, #tpu.memory_space<vmem>>, vector<16xf32>,
      %broadcast_in_dim3A_58 = arith.constant 0.000000e+00 : f32
      %broadcast_in_dim3A_59 = vector.broadcast %broadcast_in_dim3A_58 : f32 to vector<16xf32>
      %swap3A_60 = arith.index_cast %add3A_49 : i32 to index
      %swap3A_61 = arith.constant 32 : index
      %swap3A_62 = tpu.vector_load %arg15[%swap3A_60, %swap3A_61] {strides = array<i32>} : memref<125x128xf32, #tpu.memory_space<vmem>>, vector<16xf32>,
      tpu.vector_store %arg15[%swap3A_60, %swap3A_61], %broadcast_in_dim3A_59 {strides = array<i32>} : memref<125x128xf32, #tpu.memory_space<vmem>>, vector<16xf32>,
      %broadcast_in_dim3A_63 = arith.constant 0.000000e+00 : f32
      %broadcast_in_dim3A_64 = vector.broadcast %broadcast_in_dim3A_63 : f32 to vector<16xf32>
      %swap3A_65 = arith.index_cast %add3A_49 : i32 to index
      %swap3A_66 = arith.constant 48 : index
      %swap3A_67 = tpu.vector_load %arg15[%swap3A_65, %swap3A_66] {strides = array<i32>} : memref<125x128xf32, #tpu.memory_space<vmem>>, vector<16xf32>,
      tpu.vector_store %arg15[%swap3A_65, %swap3A_66], %broadcast_in_dim3A_64 {strides = array<i32>} : memref<125x128xf32, #tpu.memory_space<vmem>>, vector<16xf32>,
      %broadcast_in_dim3A_68 = arith.constant 0.000000e+00 : f32
      %broadcast_in_dim3A_69 = vector.broadcast %broadcast_in_dim3A_68 : f32 to vector<16xf32>
      %swap3A_70 = arith.index_cast %add3A_49 : i32 to index
      %swap3A_71 = arith.constant 64 : index
      %swap3A_72 = tpu.vector_load %arg15[%swap3A_70, %swap3A_71] {strides = array<i32>} : memref<125x128xf32, #tpu.memory_space<vmem>>, vector<16xf32>,
      tpu.vector_store %arg15[%swap3A_70, %swap3A_71], %broadcast_in_dim3A_69 {strides = array<i32>} : memref<125x128xf32, #tpu.memory_space<vmem>>, vector<16xf32>,
      %broadcast_in_dim3A_73 = arith.constant 0.000000e+00 : f32
      %broadcast_in_dim3A_74 = vector.broadcast %broadcast_in_dim3A_73 : f32 to vector<16xf32>
      %swap3A_75 = arith.index_cast %add3A_49 : i32 to index
      %swap3A_76 = arith.constant 80 : index
      %swap3A_77 = tpu.vector_load %arg15[%swap3A_75, %swap3A_76] {strides = array<i32>} : memref<125x128xf32, #tpu.memory_space<vmem>>, vector<16xf32>,
      tpu.vector_store %arg15[%swap3A_75, %swap3A_76], %broadcast_in_dim3A_74 {strides = array<i32>} : memref<125x128xf32, #tpu.memory_space<vmem>>, vector<16xf32>,
      %broadcast_in_dim3A_78 = arith.constant 0.000000e+00 : f32
      %broadcast_in_dim3A_79 = vector.broadcast %broadcast_in_dim3A_78 : f32 to vector<16xf32>
      %swap3A_80 = arith.index_cast %add3A_49 : i32 to index
      %swap3A_81 = arith.constant 96 : index
      %swap3A_82 = tpu.vector_load %arg15[%swap3A_80, %swap3A_81] {strides = array<i32>} : memref<125x128xf32, #tpu.memory_space<vmem>>, vector<16xf32>,
      tpu.vector_store %arg15[%swap3A_80, %swap3A_81], %broadcast_in_dim3A_79 {strides = array<i32>} : memref<125x128xf32, #tpu.memory_space<vmem>>, vector<16xf32>,
      %broadcast_in_dim3A_83 = arith.constant 0.000000e+00 : f32
      %broadcast_in_dim3A_84 = vector.broadcast %broadcast_in_dim3A_83 : f32 to vector<16xf32>
      %swap3A_85 = arith.index_cast %add3A_49 : i32 to index
      %swap3A_86 = arith.constant 112 : index
      %swap3A_87 = tpu.vector_load %arg15[%swap3A_85, %swap3A_86] {strides = array<i32>} : memref<125x128xf32, #tpu.memory_space<vmem>>, vector<16xf32>,
      tpu.vector_store %arg15[%swap3A_85, %swap3A_86], %broadcast_in_dim3A_84 {strides = array<i32>} : memref<125x128xf32, #tpu.memory_space<vmem>>, vector<16xf32>,
    }
    %scan3A_4 = arith.constant 125 : i32
    %scan3A_5 = arith.constant 0 : i32
    %scan3A_6 = arith.constant 40 : i32
    %scan3A_7 = arith.addi %scan3A_5, %scan3A_6 : i32
    %scan3A_8 = arith.constant 1 : i32
    scf.for %scan3A_45 = %scan3A_5 to %scan3A_7 step %scan3A_8  : i32 {
      %mul3A_46 = arith.constant 1 : i32
      %mul3A_47 = arith.muli %scan3A_45, %mul3A_46 : i32
      %add3A_48 = arith.constant 0 : i32
      %add3A_49 = arith.addi %add3A_48, %mul3A_47 : i32
      %broadcast_in_dim3A = arith.constant 0.000000e+00 : f32
      %broadcast_in_dim3A_50 = vector.broadcast %broadcast_in_dim3A : f32 to vector<16xf32>
      %mul3A_51 = arith.constant 16 : i32
      %mul3A_52 = arith.muli %add3A_49, %mul3A_51 : i32
      %swap3A = arith.index_cast %mul3A_52 : i32 to index
      %swap3A_53 = tpu.vector_load %arg16[%swap3A] {strides = array<i32>} : memref<640xf32, #tpu.memory_space<vmem>>, vector<16xf32>,
      tpu.vector_store %arg16[%swap3A], %broadcast_in_dim3A_50 {strides = array<i32>} : memref<640xf32, #tpu.memory_space<vmem>>, vector<16xf32>,
    }
    %scan3A_9 = arith.constant 40 : i32
    %mul3A_10 = arith.constant 625 : i32
    %mul3A_11 = arith.muli %arg1, %mul3A_10 : i32
    %add3A_12 = arith.constant 0 : i32
    %add3A_13 = arith.addi %mul3A_11, %add3A_12 : i32
    "tpu.region"() ({
      %run_scoped3A = tpu.sem_alloc : memref<!tpu.dma_semaphore, #tpu.memory_space<semaphore_mem>>
      %dma_start3A = arith.constant 0 : i32
      %dma_start3A_45 = tpu.memref_slice %arg17[%add3A_13, %dma_start3A] : memref<10000x128xf32, #tpu.memory_space<vmem_shared>> -> memref<125x128xf32, #tpu.memory_space<vmem_shared>>
      %dma_start3A_46 = arith.constant 0 : i32
      %dma_start3A_47 = tpu.memref_slice %arg17[%add3A_13, %dma_start3A_46] : memref<10000x128xf32, #tpu.memory_space<vmem_shared>> -> memref<125x128xf32, #tpu.memory_space<vmem_shared>>
      tpu.enqueue_dma source(%arg15 : memref<125x128xf32, #tpu.memory_space<vmem>>) target(%dma_start3A_47 : memref<125x128xf32, #tpu.memory_space<vmem_shared>>) target_semaphore(%run_scoped3A : memref<!tpu.dma_semaphore, #tpu.memory_space<semaphore_mem>>)
      %dma_wait3A = arith.constant 0 : i32
      %dma_wait3A_48 = tpu.memref_slice %arg17[%add3A_13, %dma_wait3A] : memref<10000x128xf32, #tpu.memory_space<vmem_shared>> -> memref<125x128xf32, #tpu.memory_space<vmem_shared>>
      %dma_wait3A_49 = arith.constant 0 : i32
      %dma_wait3A_50 = tpu.memref_slice %arg17[%add3A_13, %dma_wait3A_49] : memref<10000x128xf32, #tpu.memory_space<vmem_shared>> -> memref<125x128xf32, #tpu.memory_space<vmem_shared>>
      tpu.wait_dma2 semaphore(%run_scoped3A : memref<!tpu.dma_semaphore, #tpu.memory_space<semaphore_mem>>) src(%arg15 : memref<125x128xf32, #tpu.memory_space<vmem>>) dst(%dma_wait3A_50 : memref<125x128xf32, #tpu.memory_space<vmem_shared>>)
      tpu.yield
    }) : () -> ()
    %add3A_14 = arith.constant 125 : i32
    %add3A_15 = arith.addi %mul3A_11, %add3A_14 : i32
    "tpu.region"() ({
      %run_scoped3A = tpu.sem_alloc : memref<!tpu.dma_semaphore, #tpu.memory_space<semaphore_mem>>
      %dma_start3A = arith.constant 0 : i32
      %dma_start3A_45 = tpu.memref_slice %arg17[%add3A_15, %dma_start3A] : memref<10000x128xf32, #tpu.memory_space<vmem_shared>> -> memref<125x128xf32, #tpu.memory_space<vmem_shared>>
      %dma_start3A_46 = arith.constant 0 : i32
      %dma_start3A_47 = tpu.memref_slice %arg17[%add3A_15, %dma_start3A_46] : memref<10000x128xf32, #tpu.memory_space<vmem_shared>> -> memref<125x128xf32, #tpu.memory_space<vmem_shared>>
      tpu.enqueue_dma source(%arg15 : memref<125x128xf32, #tpu.memory_space<vmem>>) target(%dma_start3A_47 : memref<125x128xf32, #tpu.memory_space<vmem_shared>>) target_semaphore(%run_scoped3A : memref<!tpu.dma_semaphore, #tpu.memory_space<semaphore_mem>>)
      %dma_wait3A = arith.constant 0 : i32
      %dma_wait3A_48 = tpu.memref_slice %arg17[%add3A_15, %dma_wait3A] : memref<10000x128xf32, #tpu.memory_space<vmem_shared>> -> memref<125x128xf32, #tpu.memory_space<vmem_shared>>
      %dma_wait3A_49 = arith.constant 0 : i32
      %dma_wait3A_50 = tpu.memref_slice %arg17[%add3A_15, %dma_wait3A_49] : memref<10000x128xf32, #tpu.memory_space<vmem_shared>> -> memref<125x128xf32, #tpu.memory_space<vmem_shared>>
      tpu.wait_dma2 semaphore(%run_scoped3A : memref<!tpu.dma_semaphore, #tpu.memory_space<semaphore_mem>>) src(%arg15 : memref<125x128xf32, #tpu.memory_space<vmem>>) dst(%dma_wait3A_50 : memref<125x128xf32, #tpu.memory_space<vmem_shared>>)
      tpu.yield
    }) : () -> ()
    %add3A_16 = arith.constant 250 : i32
    %add3A_17 = arith.addi %mul3A_11, %add3A_16 : i32
    "tpu.region"() ({
      %run_scoped3A = tpu.sem_alloc : memref<!tpu.dma_semaphore, #tpu.memory_space<semaphore_mem>>
      %dma_start3A = arith.constant 0 : i32
      %dma_start3A_45 = tpu.memref_slice %arg17[%add3A_17, %dma_start3A] : memref<10000x128xf32, #tpu.memory_space<vmem_shared>> -> memref<125x128xf32, #tpu.memory_space<vmem_shared>>
      %dma_start3A_46 = arith.constant 0 : i32
      %dma_start3A_47 = tpu.memref_slice %arg17[%add3A_17, %dma_start3A_46] : memref<10000x128xf32, #tpu.memory_space<vmem_shared>> -> memref<125x128xf32, #tpu.memory_space<vmem_shared>>
      tpu.enqueue_dma source(%arg15 : memref<125x128xf32, #tpu.memory_space<vmem>>) target(%dma_start3A_47 : memref<125x128xf32, #tpu.memory_space<vmem_shared>>) target_semaphore(%run_scoped3A : memref<!tpu.dma_semaphore, #tpu.memory_space<semaphore_mem>>)
      %dma_wait3A = arith.constant 0 : i32
      %dma_wait3A_48 = tpu.memref_slice %arg17[%add3A_17, %dma_wait3A] : memref<10000x128xf32, #tpu.memory_space<vmem_shared>> -> memref<125x128xf32, #tpu.memory_space<vmem_shared>>
      %dma_wait3A_49 = arith.constant 0 : i32
      %dma_wait3A_50 = tpu.memref_slice %arg17[%add3A_17, %dma_wait3A_49] : memref<10000x128xf32, #tpu.memory_space<vmem_shared>> -> memref<125x128xf32, #tpu.memory_space<vmem_shared>>
      tpu.wait_dma2 semaphore(%run_scoped3A : memref<!tpu.dma_semaphore, #tpu.memory_space<semaphore_mem>>) src(%arg15 : memref<125x128xf32, #tpu.memory_space<vmem>>) dst(%dma_wait3A_50 : memref<125x128xf32, #tpu.memory_space<vmem_shared>>)
      tpu.yield
    }) : () -> ()
    %add3A_18 = arith.constant 375 : i32
    %add3A_19 = arith.addi %mul3A_11, %add3A_18 : i32
    "tpu.region"() ({
      %run_scoped3A = tpu.sem_alloc : memref<!tpu.dma_semaphore, #tpu.memory_space<semaphore_mem>>
      %dma_start3A = arith.constant 0 : i32
      %dma_start3A_45 = tpu.memref_slice %arg17[%add3A_19, %dma_start3A] : memref<10000x128xf32, #tpu.memory_space<vmem_shared>> -> memref<125x128xf32, #tpu.memory_space<vmem_shared>>
      %dma_start3A_46 = arith.constant 0 : i32
      %dma_start3A_47 = tpu.memref_slice %arg17[%add3A_19, %dma_start3A_46] : memref<10000x128xf32, #tpu.memory_space<vmem_shared>> -> memref<125x128xf32, #tpu.memory_space<vmem_shared>>
      tpu.enqueue_dma source(%arg15 : memref<125x128xf32, #tpu.memory_space<vmem>>) target(%dma_start3A_47 : memref<125x128xf32, #tpu.memory_space<vmem_shared>>) target_semaphore(%run_scoped3A : memref<!tpu.dma_semaphore, #tpu.memory_space<semaphore_mem>>)
      %dma_wait3A = arith.constant 0 : i32
      %dma_wait3A_48 = tpu.memref_slice %arg17[%add3A_19, %dma_wait3A] : memref<10000x128xf32, #tpu.memory_space<vmem_shared>> -> memref<125x128xf32, #tpu.memory_space<vmem_shared>>
      %dma_wait3A_49 = arith.constant 0 : i32
      %dma_wait3A_50 = tpu.memref_slice %arg17[%add3A_19, %dma_wait3A_49] : memref<10000x128xf32, #tpu.memory_space<vmem_shared>> -> memref<125x128xf32, #tpu.memory_space<vmem_shared>>
      tpu.wait_dma2 semaphore(%run_scoped3A : memref<!tpu.dma_semaphore, #tpu.memory_space<semaphore_mem>>) src(%arg15 : memref<125x128xf32, #tpu.memory_space<vmem>>) dst(%dma_wait3A_50 : memref<125x128xf32, #tpu.memory_space<vmem_shared>>)
      tpu.yield
    }) : () -> ()
    %add3A_20 = arith.constant 500 : i32
    %add3A_21 = arith.addi %mul3A_11, %add3A_20 : i32
    "tpu.region"() ({
      %run_scoped3A = tpu.sem_alloc : memref<!tpu.dma_semaphore, #tpu.memory_space<semaphore_mem>>
      %dma_start3A = arith.constant 0 : i32
      %dma_start3A_45 = tpu.memref_slice %arg17[%add3A_21, %dma_start3A] : memref<10000x128xf32, #tpu.memory_space<vmem_shared>> -> memref<125x128xf32, #tpu.memory_space<vmem_shared>>
      %dma_start3A_46 = arith.constant 0 : i32
      %dma_start3A_47 = tpu.memref_slice %arg17[%add3A_21, %dma_start3A_46] : memref<10000x128xf32, #tpu.memory_space<vmem_shared>> -> memref<125x128xf32, #tpu.memory_space<vmem_shared>>
      tpu.enqueue_dma source(%arg15 : memref<125x128xf32, #tpu.memory_space<vmem>>) target(%dma_start3A_47 : memref<125x128xf32, #tpu.memory_space<vmem_shared>>) target_semaphore(%run_scoped3A : memref<!tpu.dma_semaphore, #tpu.memory_space<semaphore_mem>>)
      %dma_wait3A = arith.constant 0 : i32
      %dma_wait3A_48 = tpu.memref_slice %arg17[%add3A_21, %dma_wait3A] : memref<10000x128xf32, #tpu.memory_space<vmem_shared>> -> memref<125x128xf32, #tpu.memory_space<vmem_shared>>
      %dma_wait3A_49 = arith.constant 0 : i32
      %dma_wait3A_50 = tpu.memref_slice %arg17[%add3A_21, %dma_wait3A_49] : memref<10000x128xf32, #tpu.memory_space<vmem_shared>> -> memref<125x128xf32, #tpu.memory_space<vmem_shared>>
      tpu.wait_dma2 semaphore(%run_scoped3A : memref<!tpu.dma_semaphore, #tpu.memory_space<semaphore_mem>>) src(%arg15 : memref<125x128xf32, #tpu.memory_space<vmem>>) dst(%dma_wait3A_50 : memref<125x128xf32, #tpu.memory_space<vmem_shared>>)
      tpu.yield
    }) : () -> ()
    %mul3A_22 = arith.constant 640 : i32
    %mul3A_23 = arith.muli %arg1, %mul3A_22 : i32
    "tpu.region"() ({
      %run_scoped3A = tpu.sem_alloc : memref<!tpu.dma_semaphore, #tpu.memory_space<semaphore_mem>>
      %dma_start3A = tpu.memref_slice %arg18[%mul3A_23] : memref<10240xf32, #tpu.memory_space<vmem_shared>> -> memref<640xf32, #tpu.memory_space<vmem_shared>>
      %dma_start3A_45 = tpu.memref_slice %arg18[%mul3A_23] : memref<10240xf32, #tpu.memory_space<vmem_shared>> -> memref<640xf32, #tpu.memory_space<vmem_shared>>
      tpu.enqueue_dma source(%arg16 : memref<640xf32, #tpu.memory_space<vmem>>) target(%dma_start3A_45 : memref<640xf32, #tpu.memory_space<vmem_shared>>) target_semaphore(%run_scoped3A : memref<!tpu.dma_semaphore, #tpu.memory_space<semaphore_mem>>)
      %dma_wait3A = tpu.memref_slice %arg18[%mul3A_23] : memref<10240xf32, #tpu.memory_space<vmem_shared>> -> memref<640xf32, #tpu.memory_space<vmem_shared>>
      %dma_wait3A_46 = tpu.memref_slice %arg18[%mul3A_23] : memref<10240xf32, #tpu.memory_space<vmem_shared>> -> memref<640xf32, #tpu.memory_space<vmem_shared>>
      tpu.wait_dma2 semaphore(%run_scoped3A : memref<!tpu.dma_semaphore, #tpu.memory_space<semaphore_mem>>) src(%arg16 : memref<640xf32, #tpu.memory_space<vmem>>) dst(%dma_wait3A_46 : memref<640xf32, #tpu.memory_space<vmem_shared>>)
      tpu.yield
    }) : () -> ()
    %barrier3A = arith.constant 0 : index
    tpu.barrier barrier_id(%barrier3A)
    %get3A = arith.constant 0 : index
    %get3A_24 = tpu.vector_load %arg10[%get3A] {strides = array<i32>} : memref<16xf32, #tpu.memory_space<vmem>>, vector<16xf32>,
    %mul3A_25 = arith.constant 10000 : i32
    %mul3A_26 = arith.muli %add3A, %mul3A_25 : i32
    %scan3A_27 = arith.constant 0 : i32
    %scan3A_28 = arith.constant 125 : i32
    %scan3A_29 = arith.addi %scan3A_27, %scan3A_28 : i32
    %scan3A_30 = arith.constant 1 : i32
    scf.for %scan3A_45 = %scan3A_27 to %scan3A_29 step %scan3A_30  : i32 {
      %mul3A_46 = arith.constant 1 : i32
      %mul3A_47 = arith.muli %scan3A_45, %mul3A_46 : i32
      %add3A_48 = arith.constant 0 : i32
      %add3A_49 = arith.addi %add3A_48, %mul3A_47 : i32
      %mul3A_50 = arith.constant 80 : i32
      %mul3A_51 = arith.muli %add3A_49, %mul3A_50 : i32
      %add3A_52 = arith.addi %mul3A_26, %mul3A_51 : i32
      %run_scoped3A = arith.constant 0 : i32
      "tpu.region"() ({
        %run_scoped3A_233 = tpu.sem_alloc : memref<!tpu.dma_semaphore, #tpu.memory_space<semaphore_mem>>
        %dma_start3A_234 = arith.constant 0 : i32
        %dma_start3A_235 = tpu.memref_slice %arg11[%run_scoped3A, %dma_start3A_234] : memref<1x80xi32, #tpu.memory_space<vmem>> -> memref<1x80xi32, #tpu.memory_space<vmem>>
        %dma_start3A_236 = tpu.memref_squeeze %dma_start3A_235 : memref<1x80xi32, #tpu.memory_space<vmem>> -> memref<80xi32, #tpu.memory_space<vmem>>
        %dma_start3A_237 = tpu.memref_slice %arg4[%add3A_52] : memref<320000xi32, #tpu.memory_space<hbm>> -> memref<80xi32, #tpu.memory_space<hbm>>
        %dma_start3A_238 = arith.constant 0 : i32
        %dma_start3A_239 = tpu.memref_slice %arg11[%run_scoped3A, %dma_start3A_238] : memref<1x80xi32, #tpu.memory_space<vmem>> -> memref<1x80xi32, #tpu.memory_space<vmem>>
        %dma_start3A_240 = tpu.memref_squeeze %dma_start3A_239 : memref<1x80xi32, #tpu.memory_space<vmem>> -> memref<80xi32, #tpu.memory_space<vmem>>
        %dma_start3A_241 = tpu.memref_slice %arg4[%add3A_52] : memref<320000xi32, #tpu.memory_space<hbm>> -> memref<80xi32, #tpu.memory_space<hbm>>
        tpu.enqueue_dma source(%dma_start3A_241 : memref<80xi32, #tpu.memory_space<hbm>>) target(%dma_start3A_240 : memref<80xi32, #tpu.memory_space<vmem>>) target_semaphore(%run_scoped3A_233 : memref<!tpu.dma_semaphore, #tpu.memory_space<semaphore_mem>>)
        %dma_wait3A_242 = arith.constant 0 : i32
        %dma_wait3A_243 = tpu.memref_slice %arg11[%run_scoped3A, %dma_wait3A_242] : memref<1x80xi32, #tpu.memory_space<vmem>> -> memref<1x80xi32, #tpu.memory_space<vmem>>
        %dma_wait3A_244 = tpu.memref_squeeze %dma_wait3A_243 : memref<1x80xi32, #tpu.memory_space<vmem>> -> memref<80xi32, #tpu.memory_space<vmem>>
        %dma_wait3A_245 = tpu.memref_slice %arg4[%add3A_52] : memref<320000xi32, #tpu.memory_space<hbm>> -> memref<80xi32, #tpu.memory_space<hbm>>
        %dma_wait3A_246 = arith.constant 0 : i32
        %dma_wait3A_247 = tpu.memref_slice %arg11[%run_scoped3A, %dma_wait3A_246] : memref<1x80xi32, #tpu.memory_space<vmem>> -> memref<1x80xi32, #tpu.memory_space<vmem>>
        %dma_wait3A_248 = tpu.memref_squeeze %dma_wait3A_247 : memref<1x80xi32, #tpu.memory_space<vmem>> -> memref<80xi32, #tpu.memory_space<vmem>>
        %dma_wait3A_249 = tpu.memref_slice %arg4[%add3A_52] : memref<320000xi32, #tpu.memory_space<hbm>> -> memref<80xi32, #tpu.memory_space<hbm>>
        tpu.wait_dma2 semaphore(%run_scoped3A_233 : memref<!tpu.dma_semaphore, #tpu.memory_space<semaphore_mem>>) src(%dma_wait3A_249 : memref<80xi32, #tpu.memory_space<hbm>>) dst(%dma_wait3A_248 : memref<80xi32, #tpu.memory_space<vmem>>)
        tpu.yield
      }) : () -> ()
      %run_scoped3A_53 = arith.constant 0 : i32
      "tpu.region"() ({
        %run_scoped3A_233 = tpu.sem_alloc : memref<!tpu.dma_semaphore, #tpu.memory_space<semaphore_mem>>
        %dma_start3A_234 = arith.constant 0 : i32
        %dma_start3A_235 = tpu.memref_slice %arg12[%run_scoped3A_53, %dma_start3A_234] : memref<1x80xi32, #tpu.memory_space<vmem>> -> memref<1x80xi32, #tpu.memory_space<vmem>>
        %dma_start3A_236 = tpu.memref_squeeze %dma_start3A_235 : memref<1x80xi32, #tpu.memory_space<vmem>> -> memref<80xi32, #tpu.memory_space<vmem>>
        %dma_start3A_237 = tpu.memref_slice %arg5[%add3A_52] : memref<320000xi32, #tpu.memory_space<hbm>> -> memref<80xi32, #tpu.memory_space<hbm>>
        %dma_start3A_238 = arith.constant 0 : i32
        %dma_start3A_239 = tpu.memref_slice %arg12[%run_scoped3A_53, %dma_start3A_238] : memref<1x80xi32, #tpu.memory_space<vmem>> -> memref<1x80xi32, #tpu.memory_space<vmem>>
        %dma_start3A_240 = tpu.memref_squeeze %dma_start3A_239 : memref<1x80xi32, #tpu.memory_space<vmem>> -> memref<80xi32, #tpu.memory_space<vmem>>
        %dma_start3A_241 = tpu.memref_slice %arg5[%add3A_52] : memref<320000xi32, #tpu.memory_space<hbm>> -> memref<80xi32, #tpu.memory_space<hbm>>
        tpu.enqueue_dma source(%dma_start3A_241 : memref<80xi32, #tpu.memory_space<hbm>>) target(%dma_start3A_240 : memref<80xi32, #tpu.memory_space<vmem>>) target_semaphore(%run_scoped3A_233 : memref<!tpu.dma_semaphore, #tpu.memory_space<semaphore_mem>>)
        %dma_wait3A_242 = arith.constant 0 : i32
        %dma_wait3A_243 = tpu.memref_slice %arg12[%run_scoped3A_53, %dma_wait3A_242] : memref<1x80xi32, #tpu.memory_space<vmem>> -> memref<1x80xi32, #tpu.memory_space<vmem>>
        %dma_wait3A_244 = tpu.memref_squeeze %dma_wait3A_243 : memref<1x80xi32, #tpu.memory_space<vmem>> -> memref<80xi32, #tpu.memory_space<vmem>>
        %dma_wait3A_245 = tpu.memref_slice %arg5[%add3A_52] : memref<320000xi32, #tpu.memory_space<hbm>> -> memref<80xi32, #tpu.memory_space<hbm>>
        %dma_wait3A_246 = arith.constant 0 : i32
        %dma_wait3A_247 = tpu.memref_slice %arg12[%run_scoped3A_53, %dma_wait3A_246] : memref<1x80xi32, #tpu.memory_space<vmem>> -> memref<1x80xi32, #tpu.memory_space<vmem>>
        %dma_wait3A_248 = tpu.memref_squeeze %dma_wait3A_247 : memref<1x80xi32, #tpu.memory_space<vmem>> -> memref<80xi32, #tpu.memory_space<vmem>>
        %dma_wait3A_249 = tpu.memref_slice %arg5[%add3A_52] : memref<320000xi32, #tpu.memory_space<hbm>> -> memref<80xi32, #tpu.memory_space<hbm>>
        tpu.wait_dma2 semaphore(%run_scoped3A_233 : memref<!tpu.dma_semaphore, #tpu.memory_space<semaphore_mem>>) src(%dma_wait3A_249 : memref<80xi32, #tpu.memory_space<hbm>>) dst(%dma_wait3A_248 : memref<80xi32, #tpu.memory_space<vmem>>)
        tpu.yield
      }) : () -> ()
      %dma_start3A = arith.constant 0 : i32
      %dma_start3A_54 = arith.constant 0 : i32
      %dma_start3A_55 = arith.constant 0 : i32
      %dma_start3A_56 = arith.constant 0 : i32
      %dma_start3A_57 = tpu.memref_slice %arg13[%dma_start3A_54, %dma_start3A_55, %dma_start3A_56] : memref<1x80x128xf32, #tpu.memory_space<vmem>> -> memref<1x80x128xf32, #tpu.memory_space<vmem>>
      %dma_start3A_58 = tpu.memref_squeeze %dma_start3A_57 : memref<1x80x128xf32, #tpu.memory_space<vmem>> -> memref<80x128xf32, #tpu.memory_space<vmem>>
      %dma_start3A_59 = arith.constant 0 : i32
      %dma_start3A_60 = tpu.memref_slice %arg12[%dma_start3A, %dma_start3A_59] : memref<1x80xi32, #tpu.memory_space<vmem>> -> memref<1x80xi32, #tpu.memory_space<vmem>>
      %dma_start3A_61 = tpu.memref_squeeze %dma_start3A_60 : memref<1x80xi32, #tpu.memory_space<vmem>> -> memref<80xi32, #tpu.memory_space<vmem>>
      %dma_start3A_62 = arith.constant 0 : i32
      %dma_start3A_63 = arith.constant 0 : i32
      %dma_start3A_64 = tpu.memref_slice %arg6[%dma_start3A_62, %dma_start3A_63] : memref<10000x128xf32, #tpu.memory_space<hbm>> -> memref<10000x128xf32, #tpu.memory_space<hbm>>
      tpu.enqueue_indirect_dma source(%dma_start3A_64 : memref<10000x128xf32, #tpu.memory_space<hbm>>) target(%dma_start3A_58 : memref<80x128xf32, #tpu.memory_space<vmem>>) offsets(%dma_start3A_61 : memref<80xi32, #tpu.memory_space<vmem>>) semaphore(%arg19 : memref<!tpu.dma_semaphore, #tpu.memory_space<semaphore_mem>>)
      %get3A_65 = arith.constant 0 : i32
      %get3A_66 = arith.index_cast %get3A_65 : i32 to index
      %get3A_67 = arith.constant 0 : index
      %get3A_68 = tpu.vector_load %arg11[%get3A_66, %get3A_67] {strides = array<i32>} : memref<1x80xi32, #tpu.memory_space<vmem>>, vector<16xi32>,
      %get3A_69 = arith.constant 0 : i32
      %get3A_70 = arith.index_cast %get3A_69 : i32 to index
      %get3A_71 = arith.constant 0 : index
      %get3A_72 = tpu.vector_load %arg12[%get3A_70, %get3A_71] {strides = array<i32>} : memref<1x80xi32, #tpu.memory_space<vmem>>, vector<16xi32>,
      %mul3A_73 = arith.constant 2 : i32
      %mul3A_74 = vector.broadcast %mul3A_73 : i32 to vector<16xi32>
      %mul3A_75 = arith.muli %get3A_68, %mul3A_74 : vector<16xi32>
      %gather3A = tpu.vector_load_idx %arg9[%mul3A_75] : memref<20000xf32, #tpu.memory_space<vmem>>[vector<16xi32>], vector<16xf32>,
      %mul3A_76 = arith.constant 2 : i32
      %mul3A_77 = vector.broadcast %mul3A_76 : i32 to vector<16xi32>
      %mul3A_78 = arith.muli %get3A_72, %mul3A_77 : vector<16xi32>
      %add3A_79 = arith.constant 1 : i32
      %add3A_80 = vector.broadcast %add3A_79 : i32 to vector<16xi32>
      %add3A_81 = arith.addi %mul3A_78, %add3A_80 : vector<16xi32>
      %gather3A_82 = tpu.vector_load_idx %arg9[%add3A_81] : memref<20000xf32, #tpu.memory_space<vmem>>[vector<16xi32>], vector<16xf32>,
      %add3A_83 = arith.addf %gather3A, %gather3A_82 : vector<16xf32>
      %ge3A = arith.constant 0.000000e+00 : f32
      %ge3A_84 = vector.broadcast %ge3A : f32 to vector<16xf32>
      %ge3A_85 = arith.cmpf oge, %add3A_83, %ge3A_84 : vector<16xf32>
      %mul3A_86 = arith.constant 2.000000e-01 : f32
      %mul3A_87 = vector.broadcast %mul3A_86 : f32 to vector<16xf32>
      %mul3A_88 = arith.mulf %add3A_83, %mul3A_87 : vector<16xf32>
      %select_n3A = arith.select %ge3A_85, %add3A_83, %mul3A_88 : vector<16xi1>, vector<16xf32>
      %sub3A = arith.subf %select_n3A, %get3A_24 : vector<16xf32>
      %exp3A = math.exp %sub3A : vector<16xf32>
      %swap3A = arith.constant 0 : index
      %swap3A_89 = tpu.vector_load %arg14[%swap3A] {strides = array<i32>} : memref<80xf32, #tpu.memory_space<vmem>>, vector<16xf32>,
      tpu.vector_store %arg14[%swap3A], %exp3A {strides = array<i32>} : memref<80xf32, #tpu.memory_space<vmem>>, vector<16xf32>,
      %get3A_90 = arith.constant 0 : i32
      %get3A_91 = arith.index_cast %get3A_90 : i32 to index
      %get3A_92 = arith.constant 16 : index
      %get3A_93 = tpu.vector_load %arg11[%get3A_91, %get3A_92] {strides = array<i32>} : memref<1x80xi32, #tpu.memory_space<vmem>>, vector<16xi32>,
      %get3A_94 = arith.constant 0 : i32
      %get3A_95 = arith.index_cast %get3A_94 : i32 to index
      %get3A_96 = arith.constant 16 : index
      %get3A_97 = tpu.vector_load %arg12[%get3A_95, %get3A_96] {strides = array<i32>} : memref<1x80xi32, #tpu.memory_space<vmem>>, vector<16xi32>,
      %mul3A_98 = arith.constant 2 : i32
      %mul3A_99 = vector.broadcast %mul3A_98 : i32 to vector<16xi32>
      %mul3A_100 = arith.muli %get3A_93, %mul3A_99 : vector<16xi32>
      %gather3A_101 = tpu.vector_load_idx %arg9[%mul3A_100] : memref<20000xf32, #tpu.memory_space<vmem>>[vector<16xi32>], vector<16xf32>,
      %mul3A_102 = arith.constant 2 : i32
      %mul3A_103 = vector.broadcast %mul3A_102 : i32 to vector<16xi32>
      %mul3A_104 = arith.muli %get3A_97, %mul3A_103 : vector<16xi32>
      %add3A_105 = arith.constant 1 : i32
      %add3A_106 = vector.broadcast %add3A_105 : i32 to vector<16xi32>
      %add3A_107 = arith.addi %mul3A_104, %add3A_106 : vector<16xi32>
      %gather3A_108 = tpu.vector_load_idx %arg9[%add3A_107] : memref<20000xf32, #tpu.memory_space<vmem>>[vector<16xi32>], vector<16xf32>,
      %add3A_109 = arith.addf %gather3A_101, %gather3A_108 : vector<16xf32>
      %ge3A_110 = arith.constant 0.000000e+00 : f32
      %ge3A_111 = vector.broadcast %ge3A_110 : f32 to vector<16xf32>
      %ge3A_112 = arith.cmpf oge, %add3A_109, %ge3A_111 : vector<16xf32>
      %mul3A_113 = arith.constant 2.000000e-01 : f32
      %mul3A_114 = vector.broadcast %mul3A_113 : f32 to vector<16xf32>
      %mul3A_115 = arith.mulf %add3A_109, %mul3A_114 : vector<16xf32>
      %select_n3A_116 = arith.select %ge3A_112, %add3A_109, %mul3A_115 : vector<16xi1>, vector<16xf32>
      %sub3A_117 = arith.subf %select_n3A_116, %get3A_24 : vector<16xf32>
      %exp3A_118 = math.exp %sub3A_117 : vector<16xf32>
      %swap3A_119 = arith.constant 16 : index
      %swap3A_120 = tpu.vector_load %arg14[%swap3A_119] {strides = array<i32>} : memref<80xf32, #tpu.memory_space<vmem>>, vector<16xf32>,
      tpu.vector_store %arg14[%swap3A_119], %exp3A_118 {strides = array<i32>} : memref<80xf32, #tpu.memory_space<vmem>>, vector<16xf32>,
      %get3A_121 = arith.constant 0 : i32
      %get3A_122 = arith.index_cast %get3A_121 : i32 to index
      %get3A_123 = arith.constant 32 : index
      %get3A_124 = tpu.vector_load %arg11[%get3A_122, %get3A_123] {strides = array<i32>} : memref<1x80xi32, #tpu.memory_space<vmem>>, vector<16xi32>,
      %get3A_125 = arith.constant 0 : i32
      %get3A_126 = arith.index_cast %get3A_125 : i32 to index
      %get3A_127 = arith.constant 32 : index
      %get3A_128 = tpu.vector_load %arg12[%get3A_126, %get3A_127] {strides = array<i32>} : memref<1x80xi32, #tpu.memory_space<vmem>>, vector<16xi32>,
      %mul3A_129 = arith.constant 2 : i32
      %mul3A_130 = vector.broadcast %mul3A_129 : i32 to vector<16xi32>
      %mul3A_131 = arith.muli %get3A_124, %mul3A_130 : vector<16xi32>
      %gather3A_132 = tpu.vector_load_idx %arg9[%mul3A_131] : memref<20000xf32, #tpu.memory_space<vmem>>[vector<16xi32>], vector<16xf32>,
      %mul3A_133 = arith.constant 2 : i32
      %mul3A_134 = vector.broadcast %mul3A_133 : i32 to vector<16xi32>
      %mul3A_135 = arith.muli %get3A_128, %mul3A_134 : vector<16xi32>
      %add3A_136 = arith.constant 1 : i32
      %add3A_137 = vector.broadcast %add3A_136 : i32 to vector<16xi32>
      %add3A_138 = arith.addi %mul3A_135, %add3A_137 : vector<16xi32>
      %gather3A_139 = tpu.vector_load_idx %arg9[%add3A_138] : memref<20000xf32, #tpu.memory_space<vmem>>[vector<16xi32>], vector<16xf32>,
      %add3A_140 = arith.addf %gather3A_132, %gather3A_139 : vector<16xf32>
      %ge3A_141 = arith.constant 0.000000e+00 : f32
      %ge3A_142 = vector.broadcast %ge3A_141 : f32 to vector<16xf32>
      %ge3A_143 = arith.cmpf oge, %add3A_140, %ge3A_142 : vector<16xf32>
      %mul3A_144 = arith.constant 2.000000e-01 : f32
      %mul3A_145 = vector.broadcast %mul3A_144 : f32 to vector<16xf32>
      %mul3A_146 = arith.mulf %add3A_140, %mul3A_145 : vector<16xf32>
      %select_n3A_147 = arith.select %ge3A_143, %add3A_140, %mul3A_146 : vector<16xi1>, vector<16xf32>
      %sub3A_148 = arith.subf %select_n3A_147, %get3A_24 : vector<16xf32>
      %exp3A_149 = math.exp %sub3A_148 : vector<16xf32>
      %swap3A_150 = arith.constant 32 : index
      %swap3A_151 = tpu.vector_load %arg14[%swap3A_150] {strides = array<i32>} : memref<80xf32, #tpu.memory_space<vmem>>, vector<16xf32>,
      tpu.vector_store %arg14[%swap3A_150], %exp3A_149 {strides = array<i32>} : memref<80xf32, #tpu.memory_space<vmem>>, vector<16xf32>,
      %get3A_152 = arith.constant 0 : i32
      %get3A_153 = arith.index_cast %get3A_152 : i32 to index
      %get3A_154 = arith.constant 48 : index
      %get3A_155 = tpu.vector_load %arg11[%get3A_153, %get3A_154] {strides = array<i32>} : memref<1x80xi32, #tpu.memory_space<vmem>>, vector<16xi32>,
      %get3A_156 = arith.constant 0 : i32
      %get3A_157 = arith.index_cast %get3A_156 : i32 to index
      %get3A_158 = arith.constant 48 : index
      %get3A_159 = tpu.vector_load %arg12[%get3A_157, %get3A_158] {strides = array<i32>} : memref<1x80xi32, #tpu.memory_space<vmem>>, vector<16xi32>,
      %mul3A_160 = arith.constant 2 : i32
      %mul3A_161 = vector.broadcast %mul3A_160 : i32 to vector<16xi32>
      %mul3A_162 = arith.muli %get3A_155, %mul3A_161 : vector<16xi32>
      %gather3A_163 = tpu.vector_load_idx %arg9[%mul3A_162] : memref<20000xf32, #tpu.memory_space<vmem>>[vector<16xi32>], vector<16xf32>,
      %mul3A_164 = arith.constant 2 : i32
      %mul3A_165 = vector.broadcast %mul3A_164 : i32 to vector<16xi32>
      %mul3A_166 = arith.muli %get3A_159, %mul3A_165 : vector<16xi32>
      %add3A_167 = arith.constant 1 : i32
      %add3A_168 = vector.broadcast %add3A_167 : i32 to vector<16xi32>
      %add3A_169 = arith.addi %mul3A_166, %add3A_168 : vector<16xi32>
      %gather3A_170 = tpu.vector_load_idx %arg9[%add3A_169] : memref<20000xf32, #tpu.memory_space<vmem>>[vector<16xi32>], vector<16xf32>,
      %add3A_171 = arith.addf %gather3A_163, %gather3A_170 : vector<16xf32>
      %ge3A_172 = arith.constant 0.000000e+00 : f32
      %ge3A_173 = vector.broadcast %ge3A_172 : f32 to vector<16xf32>
      %ge3A_174 = arith.cmpf oge, %add3A_171, %ge3A_173 : vector<16xf32>
      %mul3A_175 = arith.constant 2.000000e-01 : f32
      %mul3A_176 = vector.broadcast %mul3A_175 : f32 to vector<16xf32>
      %mul3A_177 = arith.mulf %add3A_171, %mul3A_176 : vector<16xf32>
      %select_n3A_178 = arith.select %ge3A_174, %add3A_171, %mul3A_177 : vector<16xi1>, vector<16xf32>
      %sub3A_179 = arith.subf %select_n3A_178, %get3A_24 : vector<16xf32>
      %exp3A_180 = math.exp %sub3A_179 : vector<16xf32>
      %swap3A_181 = arith.constant 48 : index
      %swap3A_182 = tpu.vector_load %arg14[%swap3A_181] {strides = array<i32>} : memref<80xf32, #tpu.memory_space<vmem>>, vector<16xf32>,
      tpu.vector_store %arg14[%swap3A_181], %exp3A_180 {strides = array<i32>} : memref<80xf32, #tpu.memory_space<vmem>>, vector<16xf32>,
      %get3A_183 = arith.constant 0 : i32
      %get3A_184 = arith.index_cast %get3A_183 : i32 to index
      %get3A_185 = arith.constant 64 : index
      %get3A_186 = tpu.vector_load %arg11[%get3A_184, %get3A_185] {strides = array<i32>} : memref<1x80xi32, #tpu.memory_space<vmem>>, vector<16xi32>,
      %get3A_187 = arith.constant 0 : i32
      %get3A_188 = arith.index_cast %get3A_187 : i32 to index
      %get3A_189 = arith.constant 64 : index
      %get3A_190 = tpu.vector_load %arg12[%get3A_188, %get3A_189] {strides = array<i32>} : memref<1x80xi32, #tpu.memory_space<vmem>>, vector<16xi32>,
      %mul3A_191 = arith.constant 2 : i32
      %mul3A_192 = vector.broadcast %mul3A_191 : i32 to vector<16xi32>
      %mul3A_193 = arith.muli %get3A_186, %mul3A_192 : vector<16xi32>
      %gather3A_194 = tpu.vector_load_idx %arg9[%mul3A_193] : memref<20000xf32, #tpu.memory_space<vmem>>[vector<16xi32>], vector<16xf32>,
      %mul3A_195 = arith.constant 2 : i32
      %mul3A_196 = vector.broadcast %mul3A_195 : i32 to vector<16xi32>
      %mul3A_197 = arith.muli %get3A_190, %mul3A_196 : vector<16xi32>
      %add3A_198 = arith.constant 1 : i32
      %add3A_199 = vector.broadcast %add3A_198 : i32 to vector<16xi32>
      %add3A_200 = arith.addi %mul3A_197, %add3A_199 : vector<16xi32>
      %gather3A_201 = tpu.vector_load_idx %arg9[%add3A_200] : memref<20000xf32, #tpu.memory_space<vmem>>[vector<16xi32>], vector<16xf32>,
      %add3A_202 = arith.addf %gather3A_194, %gather3A_201 : vector<16xf32>
      %ge3A_203 = arith.constant 0.000000e+00 : f32
      %ge3A_204 = vector.broadcast %ge3A_203 : f32 to vector<16xf32>
      %ge3A_205 = arith.cmpf oge, %add3A_202, %ge3A_204 : vector<16xf32>
      %mul3A_206 = arith.constant 2.000000e-01 : f32
      %mul3A_207 = vector.broadcast %mul3A_206 : f32 to vector<16xf32>
      %mul3A_208 = arith.mulf %add3A_202, %mul3A_207 : vector<16xf32>
      %select_n3A_209 = arith.select %ge3A_205, %add3A_202, %mul3A_208 : vector<16xi1>, vector<16xf32>
      %sub3A_210 = arith.subf %select_n3A_209, %get3A_24 : vector<16xf32>
      %exp3A_211 = math.exp %sub3A_210 : vector<16xf32>
      %swap3A_212 = arith.constant 64 : index
      %swap3A_213 = tpu.vector_load %arg14[%swap3A_212] {strides = array<i32>} : memref<80xf32, #tpu.memory_space<vmem>>, vector<16xf32>,
      tpu.vector_store %arg14[%swap3A_212], %exp3A_211 {strides = array<i32>} : memref<80xf32, #tpu.memory_space<vmem>>, vector<16xf32>,
      %dma_wait3A = arith.constant 0 : i32
      %dma_wait3A_214 = arith.constant 0 : i32
      %dma_wait3A_215 = arith.constant 0 : i32
      %dma_wait3A_216 = arith.constant 0 : i32
      %dma_wait3A_217 = tpu.memref_slice %arg13[%dma_wait3A_214, %dma_wait3A_215, %dma_wait3A_216] : memref<1x80x128xf32, #tpu.memory_space<vmem>> -> memref<1x80x128xf32, #tpu.memory_space<vmem>>
      %dma_wait3A_218 = tpu.memref_squeeze %dma_wait3A_217 : memref<1x80x128xf32, #tpu.memory_space<vmem>> -> memref<80x128xf32, #tpu.memory_space<vmem>>
      %dma_wait3A_219 = arith.constant 0 : i32
      %dma_wait3A_220 = tpu.memref_slice %arg12[%dma_wait3A, %dma_wait3A_219] : memref<1x80xi32, #tpu.memory_space<vmem>> -> memref<1x80xi32, #tpu.memory_space<vmem>>
      %dma_wait3A_221 = tpu.memref_squeeze %dma_wait3A_220 : memref<1x80xi32, #tpu.memory_space<vmem>> -> memref<80xi32, #tpu.memory_space<vmem>>
      %dma_wait3A_222 = arith.constant 0 : i32
      %dma_wait3A_223 = arith.constant 0 : i32
      %dma_wait3A_224 = tpu.memref_slice %arg6[%dma_wait3A_222, %dma_wait3A_223] : memref<10000x128xf32, #tpu.memory_space<hbm>> -> memref<10000x128xf32, #tpu.memory_space<hbm>>
      tpu.wait_indirect_dma semaphore(%arg19 : memref<!tpu.dma_semaphore, #tpu.memory_space<semaphore_mem>>) src(%dma_wait3A_224 : memref<10000x128xf32, #tpu.memory_space<hbm>>) dst(%dma_wait3A_218 : memref<80x128xf32, #tpu.memory_space<vmem>>)
      %scan3A_225 = arith.constant 0 : i32
      %scan3A_226 = arith.constant 80 : i32
      %scan3A_227 = arith.addi %scan3A_225, %scan3A_226 : i32
      %scan3A_228 = arith.constant 1 : i32
      scf.for %scan3A_233 = %scan3A_225 to %scan3A_227 step %scan3A_228  : i32 {
        %mul3A_234 = arith.constant 1 : i32
        %mul3A_235 = arith.muli %scan3A_233, %mul3A_234 : i32
        %add3A_236 = arith.constant 0 : i32
        %add3A_237 = arith.addi %add3A_236, %mul3A_235 : i32
        %broadcast_in_dim3A = vector.broadcast %add3A_237 : i32 to vector<16xi32>
        %gather3A_238 = tpu.vector_load_idx %arg14[%broadcast_in_dim3A] : memref<80xf32, #tpu.memory_space<vmem>>[vector<16xi32>], vector<16xf32>,
        %get3A_239 = arith.constant 0 : i32
        %get3A_240 = arith.index_cast %get3A_239 : i32 to index
        %get3A_241 = arith.index_cast %add3A_237 : i32 to index
        %get3A_242 = arith.constant 0 : index
        %get3A_243 = tpu.vector_load %arg13[%get3A_240, %get3A_241, %get3A_242] {strides = array<i32>} : memref<1x80x128xf32, #tpu.memory_space<vmem>>, vector<16xf32>,
        %mul3A_244 = arith.mulf %get3A_243, %gather3A_238 : vector<16xf32>
        %swap3A_245 = arith.constant 0 : i32
        %swap3A_246 = arith.index_cast %swap3A_245 : i32 to index
        %swap3A_247 = arith.index_cast %add3A_237 : i32 to index
        %swap3A_248 = arith.constant 0 : index
        %swap3A_249 = tpu.vector_load %arg13[%swap3A_246, %swap3A_247, %swap3A_248] {strides = array<i32>} : memref<1x80x128xf32, #tpu.memory_space<vmem>>, vector<16xf32>,
        tpu.vector_store %arg13[%swap3A_246, %swap3A_247, %swap3A_248], %mul3A_244 {strides = array<i32>} : memref<1x80x128xf32, #tpu.memory_space<vmem>>, vector<16xf32>,
        %get3A_250 = arith.constant 0 : i32
        %get3A_251 = arith.index_cast %get3A_250 : i32 to index
        %get3A_252 = arith.index_cast %add3A_237 : i32 to index
        %get3A_253 = arith.constant 16 : index
        %get3A_254 = tpu.vector_load %arg13[%get3A_251, %get3A_252, %get3A_253] {strides = array<i32>} : memref<1x80x128xf32, #tpu.memory_space<vmem>>, vector<16xf32>,
        %mul3A_255 = arith.mulf %get3A_254, %gather3A_238 : vector<16xf32>
        %swap3A_256 = arith.constant 0 : i32
        %swap3A_257 = arith.index_cast %swap3A_256 : i32 to index
        %swap3A_258 = arith.index_cast %add3A_237 : i32 to index
        %swap3A_259 = arith.constant 16 : index
        %swap3A_260 = tpu.vector_load %arg13[%swap3A_257, %swap3A_258, %swap3A_259] {strides = array<i32>} : memref<1x80x128xf32, #tpu.memory_space<vmem>>, vector<16xf32>,
        tpu.vector_store %arg13[%swap3A_257, %swap3A_258, %swap3A_259], %mul3A_255 {strides = array<i32>} : memref<1x80x128xf32, #tpu.memory_space<vmem>>, vector<16xf32>,
        %get3A_261 = arith.constant 0 : i32
        %get3A_262 = arith.index_cast %get3A_261 : i32 to index
        %get3A_263 = arith.index_cast %add3A_237 : i32 to index
        %get3A_264 = arith.constant 32 : index
        %get3A_265 = tpu.vector_load %arg13[%get3A_262, %get3A_263, %get3A_264] {strides = array<i32>} : memref<1x80x128xf32, #tpu.memory_space<vmem>>, vector<16xf32>,
        %mul3A_266 = arith.mulf %get3A_265, %gather3A_238 : vector<16xf32>
        %swap3A_267 = arith.constant 0 : i32
        %swap3A_268 = arith.index_cast %swap3A_267 : i32 to index
        %swap3A_269 = arith.index_cast %add3A_237 : i32 to index
        %swap3A_270 = arith.constant 32 : index
        %swap3A_271 = tpu.vector_load %arg13[%swap3A_268, %swap3A_269, %swap3A_270] {strides = array<i32>} : memref<1x80x128xf32, #tpu.memory_space<vmem>>, vector<16xf32>,
        tpu.vector_store %arg13[%swap3A_268, %swap3A_269, %swap3A_270], %mul3A_266 {strides = array<i32>} : memref<1x80x128xf32, #tpu.memory_space<vmem>>, vector<16xf32>,
        %get3A_272 = arith.constant 0 : i32
        %get3A_273 = arith.index_cast %get3A_272 : i32 to index
        %get3A_274 = arith.index_cast %add3A_237 : i32 to index
        %get3A_275 = arith.constant 48 : index
        %get3A_276 = tpu.vector_load %arg13[%get3A_273, %get3A_274, %get3A_275] {strides = array<i32>} : memref<1x80x128xf32, #tpu.memory_space<vmem>>, vector<16xf32>,
        %mul3A_277 = arith.mulf %get3A_276, %gather3A_238 : vector<16xf32>
        %swap3A_278 = arith.constant 0 : i32
        %swap3A_279 = arith.index_cast %swap3A_278 : i32 to index
        %swap3A_280 = arith.index_cast %add3A_237 : i32 to index
        %swap3A_281 = arith.constant 48 : index
        %swap3A_282 = tpu.vector_load %arg13[%swap3A_279, %swap3A_280, %swap3A_281] {strides = array<i32>} : memref<1x80x128xf32, #tpu.memory_space<vmem>>, vector<16xf32>,
        tpu.vector_store %arg13[%swap3A_279, %swap3A_280, %swap3A_281], %mul3A_277 {strides = array<i32>} : memref<1x80x128xf32, #tpu.memory_space<vmem>>, vector<16xf32>,
        %get3A_283 = arith.constant 0 : i32
        %get3A_284 = arith.index_cast %get3A_283 : i32 to index
        %get3A_285 = arith.index_cast %add3A_237 : i32 to index
        %get3A_286 = arith.constant 64 : index
        %get3A_287 = tpu.vector_load %arg13[%get3A_284, %get3A_285, %get3A_286] {strides = array<i32>} : memref<1x80x128xf32, #tpu.memory_space<vmem>>, vector<16xf32>,
        %mul3A_288 = arith.mulf %get3A_287, %gather3A_238 : vector<16xf32>
        %swap3A_289 = arith.constant 0 : i32
        %swap3A_290 = arith.index_cast %swap3A_289 : i32 to index
        %swap3A_291 = arith.index_cast %add3A_237 : i32 to index
        %swap3A_292 = arith.constant 64 : index
        %swap3A_293 = tpu.vector_load %arg13[%swap3A_290, %swap3A_291, %swap3A_292] {strides = array<i32>} : memref<1x80x128xf32, #tpu.memory_space<vmem>>, vector<16xf32>,
        tpu.vector_store %arg13[%swap3A_290, %swap3A_291, %swap3A_292], %mul3A_288 {strides = array<i32>} : memref<1x80x128xf32, #tpu.memory_space<vmem>>, vector<16xf32>,
        %get3A_294 = arith.constant 0 : i32
        %get3A_295 = arith.index_cast %get3A_294 : i32 to index
        %get3A_296 = arith.index_cast %add3A_237 : i32 to index
        %get3A_297 = arith.constant 80 : index
        %get3A_298 = tpu.vector_load %arg13[%get3A_295, %get3A_296, %get3A_297] {strides = array<i32>} : memref<1x80x128xf32, #tpu.memory_space<vmem>>, vector<16xf32>,
        %mul3A_299 = arith.mulf %get3A_298, %gather3A_238 : vector<16xf32>
        %swap3A_300 = arith.constant 0 : i32
        %swap3A_301 = arith.index_cast %swap3A_300 : i32 to index
        %swap3A_302 = arith.index_cast %add3A_237 : i32 to index
        %swap3A_303 = arith.constant 80 : index
        %swap3A_304 = tpu.vector_load %arg13[%swap3A_301, %swap3A_302, %swap3A_303] {strides = array<i32>} : memref<1x80x128xf32, #tpu.memory_space<vmem>>, vector<16xf32>,
        tpu.vector_store %arg13[%swap3A_301, %swap3A_302, %swap3A_303], %mul3A_299 {strides = array<i32>} : memref<1x80x128xf32, #tpu.memory_space<vmem>>, vector<16xf32>,
        %get3A_305 = arith.constant 0 : i32
        %get3A_306 = arith.index_cast %get3A_305 : i32 to index
        %get3A_307 = arith.index_cast %add3A_237 : i32 to index
        %get3A_308 = arith.constant 96 : index
        %get3A_309 = tpu.vector_load %arg13[%get3A_306, %get3A_307, %get3A_308] {strides = array<i32>} : memref<1x80x128xf32, #tpu.memory_space<vmem>>, vector<16xf32>,
        %mul3A_310 = arith.mulf %get3A_309, %gather3A_238 : vector<16xf32>
        %swap3A_311 = arith.constant 0 : i32
        %swap3A_312 = arith.index_cast %swap3A_311 : i32 to index
        %swap3A_313 = arith.index_cast %add3A_237 : i32 to index
        %swap3A_314 = arith.constant 96 : index
        %swap3A_315 = tpu.vector_load %arg13[%swap3A_312, %swap3A_313, %swap3A_314] {strides = array<i32>} : memref<1x80x128xf32, #tpu.memory_space<vmem>>, vector<16xf32>,
        tpu.vector_store %arg13[%swap3A_312, %swap3A_313, %swap3A_314], %mul3A_310 {strides = array<i32>} : memref<1x80x128xf32, #tpu.memory_space<vmem>>, vector<16xf32>,
        %get3A_316 = arith.constant 0 : i32
        %get3A_317 = arith.index_cast %get3A_316 : i32 to index
        %get3A_318 = arith.index_cast %add3A_237 : i32 to index
        %get3A_319 = arith.constant 112 : index
        %get3A_320 = tpu.vector_load %arg13[%get3A_317, %get3A_318, %get3A_319] {strides = array<i32>} : memref<1x80x128xf32, #tpu.memory_space<vmem>>, vector<16xf32>,
        %mul3A_321 = arith.mulf %get3A_320, %gather3A_238 : vector<16xf32>
        %swap3A_322 = arith.constant 0 : i32
        %swap3A_323 = arith.index_cast %swap3A_322 : i32 to index
        %swap3A_324 = arith.index_cast %add3A_237 : i32 to index
        %swap3A_325 = arith.constant 112 : index
        %swap3A_326 = tpu.vector_load %arg13[%swap3A_323, %swap3A_324, %swap3A_325] {strides = array<i32>} : memref<1x80x128xf32, #tpu.memory_space<vmem>>, vector<16xf32>,
        tpu.vector_store %arg13[%swap3A_323, %swap3A_324, %swap3A_325], %mul3A_321 {strides = array<i32>} : memref<1x80x128xf32, #tpu.memory_space<vmem>>, vector<16xf32>,
      }
      %scan3A_229 = arith.constant 80 : i32
      %run_scoped3A_230 = arith.constant 0 : i32
      %run_scoped3A_231 = arith.constant 0 : i32
      "tpu.region"() ({
        %run_scoped3A_233 = tpu.sem_alloc : memref<!tpu.dma_semaphore, #tpu.memory_space<semaphore_mem>>
        %dma_start3A_234 = arith.constant 0 : i32
        %dma_start3A_235 = arith.constant 0 : i32
        %dma_start3A_236 = tpu.memref_slice %arg13[%run_scoped3A_230, %dma_start3A_234, %dma_start3A_235] : memref<1x80x128xf32, #tpu.memory_space<vmem>> -> memref<1x80x128xf32, #tpu.memory_space<vmem>>
        %dma_start3A_237 = tpu.memref_squeeze %dma_start3A_236 : memref<1x80x128xf32, #tpu.memory_space<vmem>> -> memref<80x128xf32, #tpu.memory_space<vmem>>
        %dma_start3A_238 = arith.constant 0 : i32
        %dma_start3A_239 = tpu.memref_slice %arg11[%run_scoped3A_231, %dma_start3A_238] : memref<1x80xi32, #tpu.memory_space<vmem>> -> memref<1x80xi32, #tpu.memory_space<vmem>>
        %dma_start3A_240 = tpu.memref_squeeze %dma_start3A_239 : memref<1x80xi32, #tpu.memory_space<vmem>> -> memref<80xi32, #tpu.memory_space<vmem>>
        %dma_start3A_241 = arith.constant 0 : i32
        %dma_start3A_242 = arith.constant 0 : i32
        %dma_start3A_243 = tpu.memref_slice %arg17[%dma_start3A_241, %dma_start3A_242] : memref<10000x128xf32, #tpu.memory_space<vmem_shared>> -> memref<10000x128xf32, #tpu.memory_space<vmem_shared>>
        tpu.enqueue_indirect_dma source(%dma_start3A_237 : memref<80x128xf32, #tpu.memory_space<vmem>>) target(%dma_start3A_243 : memref<10000x128xf32, #tpu.memory_space<vmem_shared>>) offsets(%dma_start3A_240 : memref<80xi32, #tpu.memory_space<vmem>>) semaphore(%run_scoped3A_233 : memref<!tpu.dma_semaphore, #tpu.memory_space<semaphore_mem>>) {add = true}
        %dma_wait3A_244 = arith.constant 0 : i32
        %dma_wait3A_245 = arith.constant 0 : i32
        %dma_wait3A_246 = tpu.memref_slice %arg13[%run_scoped3A_230, %dma_wait3A_244, %dma_wait3A_245] : memref<1x80x128xf32, #tpu.memory_space<vmem>> -> memref<1x80x128xf32, #tpu.memory_space<vmem>>
        %dma_wait3A_247 = tpu.memref_squeeze %dma_wait3A_246 : memref<1x80x128xf32, #tpu.memory_space<vmem>> -> memref<80x128xf32, #tpu.memory_space<vmem>>
        %dma_wait3A_248 = arith.constant 0 : i32
        %dma_wait3A_249 = tpu.memref_slice %arg11[%run_scoped3A_231, %dma_wait3A_248] : memref<1x80xi32, #tpu.memory_space<vmem>> -> memref<1x80xi32, #tpu.memory_space<vmem>>
        %dma_wait3A_250 = tpu.memref_squeeze %dma_wait3A_249 : memref<1x80xi32, #tpu.memory_space<vmem>> -> memref<80xi32, #tpu.memory_space<vmem>>
        %dma_wait3A_251 = arith.constant 0 : i32
        %dma_wait3A_252 = arith.constant 0 : i32
        %dma_wait3A_253 = tpu.memref_slice %arg17[%dma_wait3A_251, %dma_wait3A_252] : memref<10000x128xf32, #tpu.memory_space<vmem_shared>> -> memref<10000x128xf32, #tpu.memory_space<vmem_shared>>
        tpu.wait_indirect_dma semaphore(%run_scoped3A_233 : memref<!tpu.dma_semaphore, #tpu.memory_space<semaphore_mem>>) src(%dma_wait3A_247 : memref<80x128xf32, #tpu.memory_space<vmem>>) dst(%dma_wait3A_253 : memref<10000x128xf32, #tpu.memory_space<vmem_shared>>)
        tpu.yield
      }) : () -> ()
      %run_scoped3A_232 = arith.constant 0 : i32
      "tpu.region"() ({
        %run_scoped3A_233 = tpu.sem_alloc : memref<!tpu.dma_semaphore, #tpu.memory_space<semaphore_mem>>
        %dma_start3A_234 = arith.constant 0 : i32
        %dma_start3A_235 = tpu.memref_slice %arg11[%run_scoped3A_232, %dma_start3A_234] : memref<1x80xi32, #tpu.memory_space<vmem>> -> memref<1x80xi32, #tpu.memory_space<vmem>>
        %dma_start3A_236 = tpu.memref_squeeze %dma_start3A_235 : memref<1x80xi32, #tpu.memory_space<vmem>> -> memref<80xi32, #tpu.memory_space<vmem>>
        %dma_start3A_237 = arith.constant 0 : i32
        %dma_start3A_238 = tpu.memref_slice %arg18[%dma_start3A_237] : memref<10240xf32, #tpu.memory_space<vmem_shared>> -> memref<10240xf32, #tpu.memory_space<vmem_shared>>
        tpu.enqueue_indirect_dma source(%arg14 : memref<80xf32, #tpu.memory_space<vmem>>) target(%dma_start3A_238 : memref<10240xf32, #tpu.memory_space<vmem_shared>>) offsets(%dma_start3A_236 : memref<80xi32, #tpu.memory_space<vmem>>) semaphore(%run_scoped3A_233 : memref<!tpu.dma_semaphore, #tpu.memory_space<semaphore_mem>>) {add = true}
        %dma_wait3A_239 = arith.constant 0 : i32
        %dma_wait3A_240 = tpu.memref_slice %arg11[%run_scoped3A_232, %dma_wait3A_239] : memref<1x80xi32, #tpu.memory_space<vmem>> -> memref<1x80xi32, #tpu.memory_space<vmem>>
        %dma_wait3A_241 = tpu.memref_squeeze %dma_wait3A_240 : memref<1x80xi32, #tpu.memory_space<vmem>> -> memref<80xi32, #tpu.memory_space<vmem>>
        %dma_wait3A_242 = arith.constant 0 : i32
        %dma_wait3A_243 = tpu.memref_slice %arg18[%dma_wait3A_242] : memref<10240xf32, #tpu.memory_space<vmem_shared>> -> memref<10240xf32, #tpu.memory_space<vmem_shared>>
        tpu.wait_indirect_dma semaphore(%run_scoped3A_233 : memref<!tpu.dma_semaphore, #tpu.memory_space<semaphore_mem>>) src(%arg14 : memref<80xf32, #tpu.memory_space<vmem>>) dst(%dma_wait3A_243 : memref<10240xf32, #tpu.memory_space<vmem_shared>>)
        tpu.yield
      }) : () -> ()
    }
    %scan3A_31 = arith.constant 125 : i32
    %barrier3A_32 = arith.constant 0 : index
    tpu.barrier barrier_id(%barrier3A_32)
    %add3A_33 = arith.constant 0 : i32
    %add3A_34 = arith.addi %mul3A_11, %add3A_33 : i32
    "tpu.region"() ({
      %run_scoped3A = tpu.sem_alloc : memref<!tpu.dma_semaphore, #tpu.memory_space<semaphore_mem>>
      %dma_start3A = arith.constant 0 : i32
      %dma_start3A_45 = tpu.memref_slice %arg17[%add3A_34, %dma_start3A] : memref<10000x128xf32, #tpu.memory_space<vmem_shared>> -> memref<125x128xf32, #tpu.memory_space<vmem_shared>>
      %dma_start3A_46 = arith.constant 0 : i32
      %dma_start3A_47 = tpu.memref_slice %arg17[%add3A_34, %dma_start3A_46] : memref<10000x128xf32, #tpu.memory_space<vmem_shared>> -> memref<125x128xf32, #tpu.memory_space<vmem_shared>>
      tpu.enqueue_dma source(%dma_start3A_47 : memref<125x128xf32, #tpu.memory_space<vmem_shared>>) target(%arg15 : memref<125x128xf32, #tpu.memory_space<vmem>>) target_semaphore(%run_scoped3A : memref<!tpu.dma_semaphore, #tpu.memory_space<semaphore_mem>>)
      %dma_wait3A = arith.constant 0 : i32
      %dma_wait3A_48 = tpu.memref_slice %arg17[%add3A_34, %dma_wait3A] : memref<10000x128xf32, #tpu.memory_space<vmem_shared>> -> memref<125x128xf32, #tpu.memory_space<vmem_shared>>
      %dma_wait3A_49 = arith.constant 0 : i32
      %dma_wait3A_50 = tpu.memref_slice %arg17[%add3A_34, %dma_wait3A_49] : memref<10000x128xf32, #tpu.memory_space<vmem_shared>> -> memref<125x128xf32, #tpu.memory_space<vmem_shared>>
      tpu.wait_dma2 semaphore(%run_scoped3A : memref<!tpu.dma_semaphore, #tpu.memory_space<semaphore_mem>>) src(%dma_wait3A_50 : memref<125x128xf32, #tpu.memory_space<vmem_shared>>) dst(%arg15 : memref<125x128xf32, #tpu.memory_space<vmem>>)
      tpu.yield
    }) : () -> ()
    "tpu.region"() ({
      %run_scoped3A = tpu.sem_alloc : memref<!tpu.dma_semaphore, #tpu.memory_space<semaphore_mem>>
      %dma_start3A = arith.constant 0 : i32
      %dma_start3A_45 = tpu.memref_slice %arg7[%arg0, %add3A_34, %dma_start3A] : memref<2x10000x128xf32, #tpu.memory_space<hbm>> -> memref<1x125x128xf32, #tpu.memory_space<hbm>>
      %dma_start3A_46 = tpu.memref_squeeze %dma_start3A_45 : memref<1x125x128xf32, #tpu.memory_space<hbm>> -> memref<125x128xf32, #tpu.memory_space<hbm>>
      %dma_start3A_47 = arith.constant 0 : i32
      %dma_start3A_48 = tpu.memref_slice %arg7[%arg0, %add3A_34, %dma_start3A_47] : memref<2x10000x128xf32, #tpu.memory_space<hbm>> -> memref<1x125x128xf32, #tpu.memory_space<hbm>>
      %dma_start3A_49 = tpu.memref_squeeze %dma_start3A_48 : memref<1x125x128xf32, #tpu.memory_space<hbm>> -> memref<125x128xf32, #tpu.memory_space<hbm>>
      tpu.enqueue_dma source(%arg15 : memref<125x128xf32, #tpu.memory_space<vmem>>) target(%dma_start3A_49 : memref<125x128xf32, #tpu.memory_space<hbm>>) target_semaphore(%run_scoped3A : memref<!tpu.dma_semaphore, #tpu.memory_space<semaphore_mem>>)
      %dma_wait3A = arith.constant 0 : i32
      %dma_wait3A_50 = tpu.memref_slice %arg7[%arg0, %add3A_34, %dma_wait3A] : memref<2x10000x128xf32, #tpu.memory_space<hbm>> -> memref<1x125x128xf32, #tpu.memory_space<hbm>>
      %dma_wait3A_51 = tpu.memref_squeeze %dma_wait3A_50 : memref<1x125x128xf32, #tpu.memory_space<hbm>> -> memref<125x128xf32, #tpu.memory_space<hbm>>
      %dma_wait3A_52 = arith.constant 0 : i32
      %dma_wait3A_53 = tpu.memref_slice %arg7[%arg0, %add3A_34, %dma_wait3A_52] : memref<2x10000x128xf32, #tpu.memory_space<hbm>> -> memref<1x125x128xf32, #tpu.memory_space<hbm>>
      %dma_wait3A_54 = tpu.memref_squeeze %dma_wait3A_53 : memref<1x125x128xf32, #tpu.memory_space<hbm>> -> memref<125x128xf32, #tpu.memory_space<hbm>>
      tpu.wait_dma2 semaphore(%run_scoped3A : memref<!tpu.dma_semaphore, #tpu.memory_space<semaphore_mem>>) src(%arg15 : memref<125x128xf32, #tpu.memory_space<vmem>>) dst(%dma_wait3A_54 : memref<125x128xf32, #tpu.memory_space<hbm>>)
      tpu.yield
    }) : () -> ()
    %add3A_35 = arith.constant 125 : i32
    %add3A_36 = arith.addi %mul3A_11, %add3A_35 : i32
    "tpu.region"() ({
      %run_scoped3A = tpu.sem_alloc : memref<!tpu.dma_semaphore, #tpu.memory_space<semaphore_mem>>
      %dma_start3A = arith.constant 0 : i32
      %dma_start3A_45 = tpu.memref_slice %arg17[%add3A_36, %dma_start3A] : memref<10000x128xf32, #tpu.memory_space<vmem_shared>> -> memref<125x128xf32, #tpu.memory_space<vmem_shared>>
      %dma_start3A_46 = arith.constant 0 : i32
      %dma_start3A_47 = tpu.memref_slice %arg17[%add3A_36, %dma_start3A_46] : memref<10000x128xf32, #tpu.memory_space<vmem_shared>> -> memref<125x128xf32, #tpu.memory_space<vmem_shared>>
      tpu.enqueue_dma source(%dma_start3A_47 : memref<125x128xf32, #tpu.memory_space<vmem_shared>>) target(%arg15 : memref<125x128xf32, #tpu.memory_space<vmem>>) target_semaphore(%run_scoped3A : memref<!tpu.dma_semaphore, #tpu.memory_space<semaphore_mem>>)
      %dma_wait3A = arith.constant 0 : i32
      %dma_wait3A_48 = tpu.memref_slice %arg17[%add3A_36, %dma_wait3A] : memref<10000x128xf32, #tpu.memory_space<vmem_shared>> -> memref<125x128xf32, #tpu.memory_space<vmem_shared>>
      %dma_wait3A_49 = arith.constant 0 : i32
      %dma_wait3A_50 = tpu.memref_slice %arg17[%add3A_36, %dma_wait3A_49] : memref<10000x128xf32, #tpu.memory_space<vmem_shared>> -> memref<125x128xf32, #tpu.memory_space<vmem_shared>>
      tpu.wait_dma2 semaphore(%run_scoped3A : memref<!tpu.dma_semaphore, #tpu.memory_space<semaphore_mem>>) src(%dma_wait3A_50 : memref<125x128xf32, #tpu.memory_space<vmem_shared>>) dst(%arg15 : memref<125x128xf32, #tpu.memory_space<vmem>>)
      tpu.yield
    }) : () -> ()
    "tpu.region"() ({
      %run_scoped3A = tpu.sem_alloc : memref<!tpu.dma_semaphore, #tpu.memory_space<semaphore_mem>>
      %dma_start3A = arith.constant 0 : i32
      %dma_start3A_45 = tpu.memref_slice %arg7[%arg0, %add3A_36, %dma_start3A] : memref<2x10000x128xf32, #tpu.memory_space<hbm>> -> memref<1x125x128xf32, #tpu.memory_space<hbm>>
      %dma_start3A_46 = tpu.memref_squeeze %dma_start3A_45 : memref<1x125x128xf32, #tpu.memory_space<hbm>> -> memref<125x128xf32, #tpu.memory_space<hbm>>
      %dma_start3A_47 = arith.constant 0 : i32
      %dma_start3A_48 = tpu.memref_slice %arg7[%arg0, %add3A_36, %dma_start3A_47] : memref<2x10000x128xf32, #tpu.memory_space<hbm>> -> memref<1x125x128xf32, #tpu.memory_space<hbm>>
      %dma_start3A_49 = tpu.memref_squeeze %dma_start3A_48 : memref<1x125x128xf32, #tpu.memory_space<hbm>> -> memref<125x128xf32, #tpu.memory_space<hbm>>
      tpu.enqueue_dma source(%arg15 : memref<125x128xf32, #tpu.memory_space<vmem>>) target(%dma_start3A_49 : memref<125x128xf32, #tpu.memory_space<hbm>>) target_semaphore(%run_scoped3A : memref<!tpu.dma_semaphore, #tpu.memory_space<semaphore_mem>>)
      %dma_wait3A = arith.constant 0 : i32
      %dma_wait3A_50 = tpu.memref_slice %arg7[%arg0, %add3A_36, %dma_wait3A] : memref<2x10000x128xf32, #tpu.memory_space<hbm>> -> memref<1x125x128xf32, #tpu.memory_space<hbm>>
      %dma_wait3A_51 = tpu.memref_squeeze %dma_wait3A_50 : memref<1x125x128xf32, #tpu.memory_space<hbm>> -> memref<125x128xf32, #tpu.memory_space<hbm>>
      %dma_wait3A_52 = arith.constant 0 : i32
      %dma_wait3A_53 = tpu.memref_slice %arg7[%arg0, %add3A_36, %dma_wait3A_52] : memref<2x10000x128xf32, #tpu.memory_space<hbm>> -> memref<1x125x128xf32, #tpu.memory_space<hbm>>
      %dma_wait3A_54 = tpu.memref_squeeze %dma_wait3A_53 : memref<1x125x128xf32, #tpu.memory_space<hbm>> -> memref<125x128xf32, #tpu.memory_space<hbm>>
      tpu.wait_dma2 semaphore(%run_scoped3A : memref<!tpu.dma_semaphore, #tpu.memory_space<semaphore_mem>>) src(%arg15 : memref<125x128xf32, #tpu.memory_space<vmem>>) dst(%dma_wait3A_54 : memref<125x128xf32, #tpu.memory_space<hbm>>)
      tpu.yield
    }) : () -> ()
    %add3A_37 = arith.constant 250 : i32
    %add3A_38 = arith.addi %mul3A_11, %add3A_37 : i32
    "tpu.region"() ({
      %run_scoped3A = tpu.sem_alloc : memref<!tpu.dma_semaphore, #tpu.memory_space<semaphore_mem>>
      %dma_start3A = arith.constant 0 : i32
      %dma_start3A_45 = tpu.memref_slice %arg17[%add3A_38, %dma_start3A] : memref<10000x128xf32, #tpu.memory_space<vmem_shared>> -> memref<125x128xf32, #tpu.memory_space<vmem_shared>>
      %dma_start3A_46 = arith.constant 0 : i32
      %dma_start3A_47 = tpu.memref_slice %arg17[%add3A_38, %dma_start3A_46] : memref<10000x128xf32, #tpu.memory_space<vmem_shared>> -> memref<125x128xf32, #tpu.memory_space<vmem_shared>>
      tpu.enqueue_dma source(%dma_start3A_47 : memref<125x128xf32, #tpu.memory_space<vmem_shared>>) target(%arg15 : memref<125x128xf32, #tpu.memory_space<vmem>>) target_semaphore(%run_scoped3A : memref<!tpu.dma_semaphore, #tpu.memory_space<semaphore_mem>>)
      %dma_wait3A = arith.constant 0 : i32
      %dma_wait3A_48 = tpu.memref_slice %arg17[%add3A_38, %dma_wait3A] : memref<10000x128xf32, #tpu.memory_space<vmem_shared>> -> memref<125x128xf32, #tpu.memory_space<vmem_shared>>
      %dma_wait3A_49 = arith.constant 0 : i32
      %dma_wait3A_50 = tpu.memref_slice %arg17[%add3A_38, %dma_wait3A_49] : memref<10000x128xf32, #tpu.memory_space<vmem_shared>> -> memref<125x128xf32, #tpu.memory_space<vmem_shared>>
      tpu.wait_dma2 semaphore(%run_scoped3A : memref<!tpu.dma_semaphore, #tpu.memory_space<semaphore_mem>>) src(%dma_wait3A_50 : memref<125x128xf32, #tpu.memory_space<vmem_shared>>) dst(%arg15 : memref<125x128xf32, #tpu.memory_space<vmem>>)
      tpu.yield
    }) : () -> ()
    "tpu.region"() ({
      %run_scoped3A = tpu.sem_alloc : memref<!tpu.dma_semaphore, #tpu.memory_space<semaphore_mem>>
      %dma_start3A = arith.constant 0 : i32
      %dma_start3A_45 = tpu.memref_slice %arg7[%arg0, %add3A_38, %dma_start3A] : memref<2x10000x128xf32, #tpu.memory_space<hbm>> -> memref<1x125x128xf32, #tpu.memory_space<hbm>>
      %dma_start3A_46 = tpu.memref_squeeze %dma_start3A_45 : memref<1x125x128xf32, #tpu.memory_space<hbm>> -> memref<125x128xf32, #tpu.memory_space<hbm>>
      %dma_start3A_47 = arith.constant 0 : i32
      %dma_start3A_48 = tpu.memref_slice %arg7[%arg0, %add3A_38, %dma_start3A_47] : memref<2x10000x128xf32, #tpu.memory_space<hbm>> -> memref<1x125x128xf32, #tpu.memory_space<hbm>>
      %dma_start3A_49 = tpu.memref_squeeze %dma_start3A_48 : memref<1x125x128xf32, #tpu.memory_space<hbm>> -> memref<125x128xf32, #tpu.memory_space<hbm>>
      tpu.enqueue_dma source(%arg15 : memref<125x128xf32, #tpu.memory_space<vmem>>) target(%dma_start3A_49 : memref<125x128xf32, #tpu.memory_space<hbm>>) target_semaphore(%run_scoped3A : memref<!tpu.dma_semaphore, #tpu.memory_space<semaphore_mem>>)
      %dma_wait3A = arith.constant 0 : i32
      %dma_wait3A_50 = tpu.memref_slice %arg7[%arg0, %add3A_38, %dma_wait3A] : memref<2x10000x128xf32, #tpu.memory_space<hbm>> -> memref<1x125x128xf32, #tpu.memory_space<hbm>>
      %dma_wait3A_51 = tpu.memref_squeeze %dma_wait3A_50 : memref<1x125x128xf32, #tpu.memory_space<hbm>> -> memref<125x128xf32, #tpu.memory_space<hbm>>
      %dma_wait3A_52 = arith.constant 0 : i32
      %dma_wait3A_53 = tpu.memref_slice %arg7[%arg0, %add3A_38, %dma_wait3A_52] : memref<2x10000x128xf32, #tpu.memory_space<hbm>> -> memref<1x125x128xf32, #tpu.memory_space<hbm>>
      %dma_wait3A_54 = tpu.memref_squeeze %dma_wait3A_53 : memref<1x125x128xf32, #tpu.memory_space<hbm>> -> memref<125x128xf32, #tpu.memory_space<hbm>>
      tpu.wait_dma2 semaphore(%run_scoped3A : memref<!tpu.dma_semaphore, #tpu.memory_space<semaphore_mem>>) src(%arg15 : memref<125x128xf32, #tpu.memory_space<vmem>>) dst(%dma_wait3A_54 : memref<125x128xf32, #tpu.memory_space<hbm>>)
      tpu.yield
    }) : () -> ()
    %add3A_39 = arith.constant 375 : i32
    %add3A_40 = arith.addi %mul3A_11, %add3A_39 : i32
    "tpu.region"() ({
      %run_scoped3A = tpu.sem_alloc : memref<!tpu.dma_semaphore, #tpu.memory_space<semaphore_mem>>
      %dma_start3A = arith.constant 0 : i32
      %dma_start3A_45 = tpu.memref_slice %arg17[%add3A_40, %dma_start3A] : memref<10000x128xf32, #tpu.memory_space<vmem_shared>> -> memref<125x128xf32, #tpu.memory_space<vmem_shared>>
      %dma_start3A_46 = arith.constant 0 : i32
      %dma_start3A_47 = tpu.memref_slice %arg17[%add3A_40, %dma_start3A_46] : memref<10000x128xf32, #tpu.memory_space<vmem_shared>> -> memref<125x128xf32, #tpu.memory_space<vmem_shared>>
      tpu.enqueue_dma source(%dma_start3A_47 : memref<125x128xf32, #tpu.memory_space<vmem_shared>>) target(%arg15 : memref<125x128xf32, #tpu.memory_space<vmem>>) target_semaphore(%run_scoped3A : memref<!tpu.dma_semaphore, #tpu.memory_space<semaphore_mem>>)
      %dma_wait3A = arith.constant 0 : i32
      %dma_wait3A_48 = tpu.memref_slice %arg17[%add3A_40, %dma_wait3A] : memref<10000x128xf32, #tpu.memory_space<vmem_shared>> -> memref<125x128xf32, #tpu.memory_space<vmem_shared>>
      %dma_wait3A_49 = arith.constant 0 : i32
      %dma_wait3A_50 = tpu.memref_slice %arg17[%add3A_40, %dma_wait3A_49] : memref<10000x128xf32, #tpu.memory_space<vmem_shared>> -> memref<125x128xf32, #tpu.memory_space<vmem_shared>>
      tpu.wait_dma2 semaphore(%run_scoped3A : memref<!tpu.dma_semaphore, #tpu.memory_space<semaphore_mem>>) src(%dma_wait3A_50 : memref<125x128xf32, #tpu.memory_space<vmem_shared>>) dst(%arg15 : memref<125x128xf32, #tpu.memory_space<vmem>>)
      tpu.yield
    }) : () -> ()
    "tpu.region"() ({
      %run_scoped3A = tpu.sem_alloc : memref<!tpu.dma_semaphore, #tpu.memory_space<semaphore_mem>>
      %dma_start3A = arith.constant 0 : i32
      %dma_start3A_45 = tpu.memref_slice %arg7[%arg0, %add3A_40, %dma_start3A] : memref<2x10000x128xf32, #tpu.memory_space<hbm>> -> memref<1x125x128xf32, #tpu.memory_space<hbm>>
      %dma_start3A_46 = tpu.memref_squeeze %dma_start3A_45 : memref<1x125x128xf32, #tpu.memory_space<hbm>> -> memref<125x128xf32, #tpu.memory_space<hbm>>
      %dma_start3A_47 = arith.constant 0 : i32
      %dma_start3A_48 = tpu.memref_slice %arg7[%arg0, %add3A_40, %dma_start3A_47] : memref<2x10000x128xf32, #tpu.memory_space<hbm>> -> memref<1x125x128xf32, #tpu.memory_space<hbm>>
      %dma_start3A_49 = tpu.memref_squeeze %dma_start3A_48 : memref<1x125x128xf32, #tpu.memory_space<hbm>> -> memref<125x128xf32, #tpu.memory_space<hbm>>
      tpu.enqueue_dma source(%arg15 : memref<125x128xf32, #tpu.memory_space<vmem>>) target(%dma_start3A_49 : memref<125x128xf32, #tpu.memory_space<hbm>>) target_semaphore(%run_scoped3A : memref<!tpu.dma_semaphore, #tpu.memory_space<semaphore_mem>>)
      %dma_wait3A = arith.constant 0 : i32
      %dma_wait3A_50 = tpu.memref_slice %arg7[%arg0, %add3A_40, %dma_wait3A] : memref<2x10000x128xf32, #tpu.memory_space<hbm>> -> memref<1x125x128xf32, #tpu.memory_space<hbm>>
      %dma_wait3A_51 = tpu.memref_squeeze %dma_wait3A_50 : memref<1x125x128xf32, #tpu.memory_space<hbm>> -> memref<125x128xf32, #tpu.memory_space<hbm>>
      %dma_wait3A_52 = arith.constant 0 : i32
      %dma_wait3A_53 = tpu.memref_slice %arg7[%arg0, %add3A_40, %dma_wait3A_52] : memref<2x10000x128xf32, #tpu.memory_space<hbm>> -> memref<1x125x128xf32, #tpu.memory_space<hbm>>
      %dma_wait3A_54 = tpu.memref_squeeze %dma_wait3A_53 : memref<1x125x128xf32, #tpu.memory_space<hbm>> -> memref<125x128xf32, #tpu.memory_space<hbm>>
      tpu.wait_dma2 semaphore(%run_scoped3A : memref<!tpu.dma_semaphore, #tpu.memory_space<semaphore_mem>>) src(%arg15 : memref<125x128xf32, #tpu.memory_space<vmem>>) dst(%dma_wait3A_54 : memref<125x128xf32, #tpu.memory_space<hbm>>)
      tpu.yield
    }) : () -> ()
    %add3A_41 = arith.constant 500 : i32
    %add3A_42 = arith.addi %mul3A_11, %add3A_41 : i32
    "tpu.region"() ({
      %run_scoped3A = tpu.sem_alloc : memref<!tpu.dma_semaphore, #tpu.memory_space<semaphore_mem>>
      %dma_start3A = arith.constant 0 : i32
      %dma_start3A_45 = tpu.memref_slice %arg17[%add3A_42, %dma_start3A] : memref<10000x128xf32, #tpu.memory_space<vmem_shared>> -> memref<125x128xf32, #tpu.memory_space<vmem_shared>>
      %dma_start3A_46 = arith.constant 0 : i32
      %dma_start3A_47 = tpu.memref_slice %arg17[%add3A_42, %dma_start3A_46] : memref<10000x128xf32, #tpu.memory_space<vmem_shared>> -> memref<125x128xf32, #tpu.memory_space<vmem_shared>>
      tpu.enqueue_dma source(%dma_start3A_47 : memref<125x128xf32, #tpu.memory_space<vmem_shared>>) target(%arg15 : memref<125x128xf32, #tpu.memory_space<vmem>>) target_semaphore(%run_scoped3A : memref<!tpu.dma_semaphore, #tpu.memory_space<semaphore_mem>>)
      %dma_wait3A = arith.constant 0 : i32
      %dma_wait3A_48 = tpu.memref_slice %arg17[%add3A_42, %dma_wait3A] : memref<10000x128xf32, #tpu.memory_space<vmem_shared>> -> memref<125x128xf32, #tpu.memory_space<vmem_shared>>
      %dma_wait3A_49 = arith.constant 0 : i32
      %dma_wait3A_50 = tpu.memref_slice %arg17[%add3A_42, %dma_wait3A_49] : memref<10000x128xf32, #tpu.memory_space<vmem_shared>> -> memref<125x128xf32, #tpu.memory_space<vmem_shared>>
      tpu.wait_dma2 semaphore(%run_scoped3A : memref<!tpu.dma_semaphore, #tpu.memory_space<semaphore_mem>>) src(%dma_wait3A_50 : memref<125x128xf32, #tpu.memory_space<vmem_shared>>) dst(%arg15 : memref<125x128xf32, #tpu.memory_space<vmem>>)
      tpu.yield
    }) : () -> ()
    "tpu.region"() ({
      %run_scoped3A = tpu.sem_alloc : memref<!tpu.dma_semaphore, #tpu.memory_space<semaphore_mem>>
      %dma_start3A = arith.constant 0 : i32
      %dma_start3A_45 = tpu.memref_slice %arg7[%arg0, %add3A_42, %dma_start3A] : memref<2x10000x128xf32, #tpu.memory_space<hbm>> -> memref<1x125x128xf32, #tpu.memory_space<hbm>>
      %dma_start3A_46 = tpu.memref_squeeze %dma_start3A_45 : memref<1x125x128xf32, #tpu.memory_space<hbm>> -> memref<125x128xf32, #tpu.memory_space<hbm>>
      %dma_start3A_47 = arith.constant 0 : i32
      %dma_start3A_48 = tpu.memref_slice %arg7[%arg0, %add3A_42, %dma_start3A_47] : memref<2x10000x128xf32, #tpu.memory_space<hbm>> -> memref<1x125x128xf32, #tpu.memory_space<hbm>>
      %dma_start3A_49 = tpu.memref_squeeze %dma_start3A_48 : memref<1x125x128xf32, #tpu.memory_space<hbm>> -> memref<125x128xf32, #tpu.memory_space<hbm>>
      tpu.enqueue_dma source(%arg15 : memref<125x128xf32, #tpu.memory_space<vmem>>) target(%dma_start3A_49 : memref<125x128xf32, #tpu.memory_space<hbm>>) target_semaphore(%run_scoped3A : memref<!tpu.dma_semaphore, #tpu.memory_space<semaphore_mem>>)
      %dma_wait3A = arith.constant 0 : i32
      %dma_wait3A_50 = tpu.memref_slice %arg7[%arg0, %add3A_42, %dma_wait3A] : memref<2x10000x128xf32, #tpu.memory_space<hbm>> -> memref<1x125x128xf32, #tpu.memory_space<hbm>>
      %dma_wait3A_51 = tpu.memref_squeeze %dma_wait3A_50 : memref<1x125x128xf32, #tpu.memory_space<hbm>> -> memref<125x128xf32, #tpu.memory_space<hbm>>
      %dma_wait3A_52 = arith.constant 0 : i32
      %dma_wait3A_53 = tpu.memref_slice %arg7[%arg0, %add3A_42, %dma_wait3A_52] : memref<2x10000x128xf32, #tpu.memory_space<hbm>> -> memref<1x125x128xf32, #tpu.memory_space<hbm>>
      %dma_wait3A_54 = tpu.memref_squeeze %dma_wait3A_53 : memref<1x125x128xf32, #tpu.memory_space<hbm>> -> memref<125x128xf32, #tpu.memory_space<hbm>>
      tpu.wait_dma2 semaphore(%run_scoped3A : memref<!tpu.dma_semaphore, #tpu.memory_space<semaphore_mem>>) src(%arg15 : memref<125x128xf32, #tpu.memory_space<vmem>>) dst(%dma_wait3A_54 : memref<125x128xf32, #tpu.memory_space<hbm>>)
      tpu.yield
    }) : () -> ()
    %mul3A_43 = arith.constant 640 : i32
    %mul3A_44 = arith.muli %arg1, %mul3A_43 : i32
    "tpu.region"() ({
      %run_scoped3A = tpu.sem_alloc : memref<!tpu.dma_semaphore, #tpu.memory_space<semaphore_mem>>
      %dma_start3A = tpu.memref_slice %arg18[%mul3A_44] : memref<10240xf32, #tpu.memory_space<vmem_shared>> -> memref<640xf32, #tpu.memory_space<vmem_shared>>
      %dma_start3A_45 = tpu.memref_slice %arg18[%mul3A_44] : memref<10240xf32, #tpu.memory_space<vmem_shared>> -> memref<640xf32, #tpu.memory_space<vmem_shared>>
      tpu.enqueue_dma source(%dma_start3A_45 : memref<640xf32, #tpu.memory_space<vmem_shared>>) target(%arg16 : memref<640xf32, #tpu.memory_space<vmem>>) target_semaphore(%run_scoped3A : memref<!tpu.dma_semaphore, #tpu.memory_space<semaphore_mem>>)
      %dma_wait3A = tpu.memref_slice %arg18[%mul3A_44] : memref<10240xf32, #tpu.memory_space<vmem_shared>> -> memref<640xf32, #tpu.memory_space<vmem_shared>>
      %dma_wait3A_46 = tpu.memref_slice %arg18[%mul3A_44] : memref<10240xf32, #tpu.memory_space<vmem_shared>> -> memref<640xf32, #tpu.memory_space<vmem_shared>>
      tpu.wait_dma2 semaphore(%run_scoped3A : memref<!tpu.dma_semaphore, #tpu.memory_space<semaphore_mem>>) src(%dma_wait3A_46 : memref<640xf32, #tpu.memory_space<vmem_shared>>) dst(%arg16 : memref<640xf32, #tpu.memory_space<vmem>>)
      tpu.yield
    }) : () -> ()
    "tpu.region"() ({
      %run_scoped3A = tpu.sem_alloc : memref<!tpu.dma_semaphore, #tpu.memory_space<semaphore_mem>>
      %dma_start3A = tpu.memref_slice %arg8[%arg0, %mul3A_44] : memref<2x10240xf32, #tpu.memory_space<hbm>> -> memref<1x640xf32, #tpu.memory_space<hbm>>
      %dma_start3A_45 = tpu.memref_squeeze %dma_start3A : memref<1x640xf32, #tpu.memory_space<hbm>> -> memref<640xf32, #tpu.memory_space<hbm>>
      %dma_start3A_46 = tpu.memref_slice %arg8[%arg0, %mul3A_44] : memref<2x10240xf32, #tpu.memory_space<hbm>> -> memref<1x640xf32, #tpu.memory_space<hbm>>
      %dma_start3A_47 = tpu.memref_squeeze %dma_start3A_46 : memref<1x640xf32, #tpu.memory_space<hbm>> -> memref<640xf32, #tpu.memory_space<hbm>>
      tpu.enqueue_dma source(%arg16 : memref<640xf32, #tpu.memory_space<vmem>>) target(%dma_start3A_47 : memref<640xf32, #tpu.memory_space<hbm>>) target_semaphore(%run_scoped3A : memref<!tpu.dma_semaphore, #tpu.memory_space<semaphore_mem>>)
      %dma_wait3A = tpu.memref_slice %arg8[%arg0, %mul3A_44] : memref<2x10240xf32, #tpu.memory_space<hbm>> -> memref<1x640xf32, #tpu.memory_space<hbm>>
      %dma_wait3A_48 = tpu.memref_squeeze %dma_wait3A : memref<1x640xf32, #tpu.memory_space<hbm>> -> memref<640xf32, #tpu.memory_space<hbm>>
      %dma_wait3A_49 = tpu.memref_slice %arg8[%arg0, %mul3A_44] : memref<2x10240xf32, #tpu.memory_space<hbm>> -> memref<1x640xf32, #tpu.memory_space<hbm>>
      %dma_wait3A_50 = tpu.memref_squeeze %dma_wait3A_49 : memref<1x640xf32, #tpu.memory_space<hbm>> -> memref<640xf32, #tpu.memory_space<hbm>>
      tpu.wait_dma2 semaphore(%run_scoped3A : memref<!tpu.dma_semaphore, #tpu.memory_space<semaphore_mem>>) src(%arg16 : memref<640xf32, #tpu.memory_space<vmem>>) dst(%dma_wait3A_50 : memref<640xf32, #tpu.memory_space<hbm>>)
      tpu.yield
    }) : () -> ()
    return
  }
}

module attributes {stable_mosaic.version = 14 : i64} {
  func.func @_tc_prep_body(%arg0: memref<10000x128xf32, #tpu.memory_space<vmem>>, %arg1: memref<128x128xf32, #tpu.memory_space<vmem>>, %arg2: memref<128x2xf32, #tpu.memory_space<vmem>>, %arg3: memref<10000x128xf32, #tpu.memory_space<vmem>>, %arg4: memref<10000x2xf32, #tpu.memory_space<vmem>>, %arg5: memref<8x128xf32, #tpu.memory_space<vmem>>) attributes {dimension_semantics = [], scalar_prefetch = 0 : i64, scratch_operands = 0 : i64, tpu.core_type = #tpu.core_type<tc>} {
    %get3A = arith.constant 0 : index
    %get3A_0 = arith.constant 0 : index
    %get3A_1 = vector.load %arg0[%get3A, %get3A_0] : memref<10000x128xf32, #tpu.memory_space<vmem>>, vector<10000x128xf32>
    %get3A_2 = arith.constant 0 : index
    %get3A_3 = arith.constant 0 : index
    %get3A_4 = vector.load %arg1[%get3A_2, %get3A_3] : memref<128x128xf32, #tpu.memory_space<vmem>>, vector<128x128xf32>
    %dot_general3A = arith.constant dense<0.000000e+00> : vector<10000x128xf32>
    %dot_general3A_5 = tpu.matmul %get3A_1, %get3A_4, %dot_general3A {dimension_numbers = #tpu.dot_dimension_numbers<[1], [0], [0], [1], [0, 0, 1, 1], [], []>, transpose_lhs_hint = false} : vector<10000x128xf32>, vector<128x128xf32>, vector<10000x128xf32> -> vector<10000x128xf32>
    %swap3A = arith.constant 0 : index
    %swap3A_6 = arith.constant 0 : index
    %swap3A_7 = vector.load %arg3[%swap3A, %swap3A_6] : memref<10000x128xf32, #tpu.memory_space<vmem>>, vector<10000x128xf32>
    tpu.vector_store %arg3[%swap3A, %swap3A_6], %dot_general3A_5 {strides = array<i32>} : memref<10000x128xf32, #tpu.memory_space<vmem>>, vector<10000x128xf32>,
    %get3A_8 = arith.constant 0 : index
    %get3A_9 = arith.constant 0 : index
    %get3A_10 = vector.load %arg2[%get3A_8, %get3A_9] : memref<128x2xf32, #tpu.memory_space<vmem>>, vector<128x2xf32>
    %dot_general3A_11 = arith.constant dense<0.000000e+00> : vector<10000x2xf32>
    %dot_general3A_12 = tpu.matmul %dot_general3A_5, %get3A_10, %dot_general3A_11 {dimension_numbers = #tpu.dot_dimension_numbers<[1], [0], [0], [1], [0, 0, 1, 1], [], []>, transpose_lhs_hint = false} : vector<10000x128xf32>, vector<128x2xf32>, vector<10000x2xf32> -> vector<10000x2xf32>
    %swap3A_13 = arith.constant 0 : index
    %swap3A_14 = arith.constant 0 : index
    %swap3A_15 = vector.load %arg4[%swap3A_13, %swap3A_14] : memref<10000x2xf32, #tpu.memory_space<vmem>>, vector<10000x2xf32>
    tpu.vector_store %arg4[%swap3A_13, %swap3A_14], %dot_general3A_12 {strides = array<i32>} : memref<10000x2xf32, #tpu.memory_space<vmem>>, vector<10000x2xf32>,
    %slice3A = vector.extract_strided_slice %dot_general3A_12 {offsets = [0, 0], sizes = [10000, 1], strides = [1, 1]} : vector<10000x2xf32> to vector<10000x1xf32>
    %squeeze3A = vector.shape_cast %slice3A : vector<10000x1xf32> to vector<10000xf32>
    %reduce_max3A = vector.shape_cast %squeeze3A : vector<10000xf32> to vector<1x10000xf32>
    %reduce_max3A_16 = arith.constant dense<0xFF800000> : vector<1xf32>
    %reduce_max3A_17 = vector.multi_reduction <maximumf>, %reduce_max3A, %reduce_max3A_16 [1] : vector<1x10000xf32> to vector<1xf32>
    %reduce_max3A_18 = vector.shape_cast %reduce_max3A_17 : vector<1xf32> to vector<1x1xf32>
    %reduce_max3A_19 = vector.extract %reduce_max3A_18[0, 0] : f32 from vector<1x1xf32>
    %slice3A_20 = vector.extract_strided_slice %dot_general3A_12 {offsets = [0, 1], sizes = [10000, 1], strides = [1, 1]} : vector<10000x2xf32> to vector<10000x1xf32>
    %squeeze3A_21 = vector.shape_cast %slice3A_20 : vector<10000x1xf32> to vector<10000xf32>
    %reduce_max3A_22 = vector.shape_cast %squeeze3A_21 : vector<10000xf32> to vector<1x10000xf32>
    %reduce_max3A_23 = arith.constant dense<0xFF800000> : vector<1xf32>
    %reduce_max3A_24 = vector.multi_reduction <maximumf>, %reduce_max3A_22, %reduce_max3A_23 [1] : vector<1x10000xf32> to vector<1xf32>
    %reduce_max3A_25 = vector.shape_cast %reduce_max3A_24 : vector<1xf32> to vector<1x1xf32>
    %reduce_max3A_26 = vector.extract %reduce_max3A_25[0, 0] : f32 from vector<1x1xf32>
    %add3A = arith.addf %reduce_max3A_19, %reduce_max3A_26 : f32
    %ge3A = arith.constant 0.000000e+00 : f32
    %ge3A_27 = arith.cmpf oge, %add3A, %ge3A : f32
    %mul3A = arith.constant 2.000000e-01 : f32
    %mul3A_28 = arith.mulf %mul3A, %add3A : f32
    %select_n3A = arith.select %ge3A_27, %add3A, %mul3A_28 : f32
    %broadcast_in_dim3A = vector.broadcast %select_n3A : f32 to vector<8x128xf32>
    %swap3A_29 = arith.constant 0 : index
    %swap3A_30 = arith.constant 0 : index
    %swap3A_31 = vector.load %arg5[%swap3A_29, %swap3A_30] : memref<8x128xf32, #tpu.memory_space<vmem>>, vector<8x128xf32>
    tpu.vector_store %arg5[%swap3A_29, %swap3A_30], %broadcast_in_dim3A {strides = array<i32>} : memref<8x128xf32, #tpu.memory_space<vmem>>, vector<8x128xf32>,
    return
  }
}

module attributes {stable_mosaic.version = 14 : i64} {
  func.func @_tc_combine_body(%arg0: memref<2x10000x128xf32, #tpu.memory_space<vmem>>, %arg1: memref<2x10240xf32, #tpu.memory_space<vmem>>, %arg2: memref<10000x128xf32, #tpu.memory_space<vmem>>) attributes {dimension_semantics = [], scalar_prefetch = 0 : i64, scratch_operands = 0 : i64, tpu.core_type = #tpu.core_type<tc>} {
    %get3A = arith.constant 0 : index
    %get3A_0 = arith.constant 0 : index
    %get3A_1 = arith.constant 0 : index
    %get3A_2 = vector.load %arg0[%get3A, %get3A_0, %get3A_1] : memref<2x10000x128xf32, #tpu.memory_space<vmem>>, vector<1x10000x128xf32>
    %get3A_3 = vector.shape_cast %get3A_2 : vector<1x10000x128xf32> to vector<10000x128xf32>
    %get3A_4 = arith.constant 1 : index
    %get3A_5 = arith.constant 0 : index
    %get3A_6 = arith.constant 0 : index
    %get3A_7 = vector.load %arg0[%get3A_4, %get3A_5, %get3A_6] : memref<2x10000x128xf32, #tpu.memory_space<vmem>>, vector<1x10000x128xf32>
    %get3A_8 = vector.shape_cast %get3A_7 : vector<1x10000x128xf32> to vector<10000x128xf32>
    %add3A = arith.addf %get3A_3, %get3A_8 : vector<10000x128xf32>
    %get3A_9 = arith.constant 0 : index
    %get3A_10 = arith.constant 0 : index
    %get3A_11 = vector.load %arg1[%get3A_9, %get3A_10] : memref<2x10240xf32, #tpu.memory_space<vmem>>, vector<1x10000xf32>
    %get3A_12 = vector.shape_cast %get3A_11 : vector<1x10000xf32> to vector<10000xf32>
    %get3A_13 = arith.constant 1 : index
    %get3A_14 = arith.constant 0 : index
    %get3A_15 = vector.load %arg1[%get3A_13, %get3A_14] : memref<2x10240xf32, #tpu.memory_space<vmem>>, vector<1x10000xf32>
    %get3A_16 = vector.shape_cast %get3A_15 : vector<1x10000xf32> to vector<10000xf32>
    %add3A_17 = arith.addf %get3A_12, %get3A_16 : vector<10000xf32>
    %gt3A = arith.constant 0.000000e+00 : f32
    %gt3A_18 = vector.broadcast %gt3A : f32 to vector<10000xf32>
    %gt3A_19 = arith.cmpf ogt, %add3A_17, %gt3A_18 : vector<10000xf32>
    %jit3A = arith.constant 1.000000e+00 : f32
    %broadcast_in_dim3A = vector.broadcast %jit3A : f32 to vector<10000xf32>
    %select_n3A = arith.select %gt3A_19, %add3A_17, %broadcast_in_dim3A : vector<10000xi1>, vector<10000xf32>
    %broadcast_in_dim3A_20 = vector.shape_cast %select_n3A : vector<10000xf32> to vector<10000x1xf32>
    %div3A = vector.broadcast %broadcast_in_dim3A_20 : vector<10000x1xf32> to vector<10000x128xf32>
    %div3A_21 = arith.divf %add3A, %div3A : vector<10000x128xf32>
    %max3A = arith.constant 0.000000e+00 : f32
    %max3A_22 = vector.broadcast %max3A : f32 to vector<10000x128xf32>
    %max3A_23 = arith.maximumf %div3A_21, %max3A_22 : vector<10000x128xf32>
    %swap3A = arith.constant 0 : index
    %swap3A_24 = arith.constant 0 : index
    %swap3A_25 = vector.load %arg2[%swap3A, %swap3A_24] : memref<10000x128xf32, #tpu.memory_space<vmem>>, vector<10000x128xf32>
    tpu.vector_store %arg2[%swap3A, %swap3A_24], %max3A_23 {strides = array<i32>} : memref<10000x128xf32, #tpu.memory_space<vmem>>, vector<10000x128xf32>,
    return
  }
}

</mosaic_0001>

<sc_bundles>
// kernel: kernel.5.cloned.1.call-start
scs
__scs_entry_jumppad:
0x0: {  	(pc) =	sbr.rel $0x88, $3  }
0x1: {  	(tag) =	ssettag $0x0;
	lr =	simm.s32 $0x1  }
0x2: {  	[smem:$0x3F9D] =	sst lr;
	_ =	strace $0xD0000000  }
0x3: {  	_ = 	snop  }
0x4: {  	_ = 	snop  }
0x5: {  	_ = 	snop  }
0x6: {  	_ = 	snop  }
0x7: {  	_ = 	snop  }
__scs_overlays_trampoline_lowered:
0x8: {  	[smem:$0x3FAC] =	sst s0  }
0x9: {  	[smem:$0x3FAD] =	sst s1  }
0xa: {  	[smem:$0x3FAE] =	sst s2  }
0xb: {  	[smem:$0x3FAF] =	sst s3  }
0xc: {  	[smem:$0x3FB0] =	sst s4  }
0xd: {  	[smem:$0x3FB1] =	sst s5  }
0xe: {  	[smem:$0x3FB2] =	sst s6  }
0xf: {  	[smem:$0x3FB3] =	sst s7  }
0x10: {  	[smem:$0x3FB4] =	sst s8  }
0x11: {  	[smem:$0x3FB5] =	sst s9;
	s0 =	simm.s32 @!p0 $0x0  }
0x12: {  	s1 =	sld [smem:$0x3F9B];
	s0 =	simm.s32 @p0 $0x1  }
0x13: {  	[smem:$0x3FB6] =	sst s0;
	s0 =	simm.s32 @!p1 $0x0  }
0x14: {  	s2 =	sld [smem:$0x3F9A];
	s0 =	simm.s32 @p1 $0x1  }
0x15: {  	[smem:$0x3FB7] =	sst s0;
	s0 =	simm.s32 @!p2 $0x0  }
0x16: {  	s3 =	sld [smem:$0x3FDB];
	s0 =	simm.s32 @p2 $0x1  }
0x17: {  	s4 =	simm.s32 $0x1BF5;
	[smem:$0x3FB9] =	sst s0  }
0x18: {  	s0 =	sld [smem:$0x3F9C];
	_ =	swait.ge [sflag:s4], $0x0  }
0x19: {  	s7 =	sld [smem:$0x3F9D]  }
0x1a: {  	s8 =	sadd.s32 $0xFFFFE003, lr  }
0x1b: {  	s9 =	sadd.s32 $0xFFFFFEF7, lr;
	s5 =	simm.s32 $0xFFFFFFFF;
	p2 =	slt.u32 s8, $0xFFFFF086  }
0x1c: {  	p1 =	slt.u32 s9, $0xF7A;
	s5 =	simm.s32 @!p2 $0x0  }
0x1d: {  	s5 =	simm.s32 @p1 $0x1;
	p0 =	seq.s32 s7, s2  }
0x1e: {  	s7 =	smul.u32 @!p0 $0xF7A, s2;
	p2 =	seq.s32 @!p0 s5, $0x0  }
0x1f: {  	s9 =	smul.u32 $0xF7A, s1;
	s8 =	simm.s32 @!p0 $0x1BF5;
	p2 =	por !p2, p0  }
0x20: {  	[sflag:s8] =	ssyncset.s32 @!p0 $0xFFFFF086;
	s6 =	sadd.s32 @!p0 s3, s7;
	s7 =	simm.s32 @!p0 $0x108  }
0x21: {  	s3 =	sadd.s32 s3, s9;
	s6 =	sadd.s32 @!p0 $0x88, s6;
	s7 =	simm.s32 @p2 $0x1082  }
0x22: {  	[simem:s7], [sflag:s8] =	dma.local @!p0 [hbm:s6], $0xF7A  }
0x23: {  	s9 =	sor.u32 $0xD0000000, s2;
	s6 =	simm.s32 $0x108;
	_ =	swait.ge @!p0 [sflag:s8], $0x0  }
0x24: {  	s3 =	sadd.s32 $0x88, s3;
	s6 =	simm.s32 @!p1 $0x1082;
	[sflag:s4] =	ssyncset.s32 $0xFFFFF086  }
0x25: {  	[simem:s6], [sflag:s4] =	dma.local [hbm:s3], $0xF7A  }
0x26: {  	[smem:$0x3F9D] =	sst s1;
	(tag) =	ssettag s2;
	_ =	strace s9  }
0x27: {  	s1 =	sld [smem:$0x3FAD]  }
0x28: {  	s2 =	sld [smem:$0x3FAE]  }
0x29: {  	s4 =	sld [smem:$0x3FB0]  }
0x2a: {  	p0 =	seq.s32 s5, $0x0;
	s5 =	sld [smem:$0x3FB1]  }
0x2b: {  	s6 =	sld [smem:$0x3FB2]  }
0x2c: {  	s7 =	sld [smem:$0x3FB3]  }
0x2d: {  	s3 =	simm.s32 $0x108;
	s8 =	sld [smem:$0x3FB4]  }
0x2e: {  	s3 =	simm.s32 @!p0 $0x1082;
	s9 =	sld [smem:$0x3FB5]  }
0x2f: {  	lr =	sadd.s32 s0, s3;
	s0 =	sld [smem:$0x3FAC]  }
0x30: {  	s3 =	sld [smem:$0x3FAF]  }
0x31: {  	[smem:$0x3FB8] =	sst s10  }
0x32: {  	s10 =	sld [smem:$0x3FB6];
	_ =	sdelay $0x3  }
0x33: {  	p0 =	seq.s32 s10, $0x1;
	s10 =	sld [smem:$0x3FB8];
	_ =	sdelay $0x3  }
0x34: {  	[smem:$0x3FB8] =	sst s10  }
0x35: {  	s10 =	sld [smem:$0x3FB7];
	_ =	sdelay $0x3  }
0x36: {  	p1 =	seq.s32 s10, $0x1;
	s10 =	sld [smem:$0x3FB8];
	_ =	sdelay $0x3  }
0x37: {  	[smem:$0x3FB8] =	sst s10  }
0x38: {  	s10 =	sld [smem:$0x3FB9]  }
0x39: {  	_ = 	snop;
	(pc) =	sbr.ind lr, $3  }
0x3a: {  	_ = 	snop  }
0x3b: {  	_ = 	snop  }
0x3c: {  	p2 =	seq.s32 s10, $0x1;
	s10 =	sld [smem:$0x3FB8]  }
0x3d: {  	_ =	shalt  }
0x3e: {  	_ =	shalt  }
0x3f: {  	_ =	shalt  }
0x40: {  	_ =	shalt  }
0x41: {  	_ =	shalt  }
0x42: {  	_ =	shalt  }
0x43: {  	_ =	shalt  }
0x44: {  	_ =	shalt  }
0x45: {  	_ =	shalt  }
0x46: {  	_ =	shalt  }
0x47: {  	_ =	shalt  }
0x48: {  	_ =	shalt  }
0x49: {  	_ =	shalt  }
0x4a: {  	_ =	shalt  }
0x4b: {  	_ =	shalt  }
0x4c: {  	_ =	shalt  }
0x4d: {  	_ =	shalt  }
0x4e: {  	_ =	shalt  }
0x4f: {  	_ =	shalt  }
0x50: {  	_ =	shalt  }
0x51: {  	_ =	shalt  }
0x52: {  	_ =	shalt  }
0x53: {  	_ =	shalt  }
0x54: {  	_ =	shalt  }
0x55: {  	_ =	shalt  }
0x56: {  	_ =	shalt  }
0x57: {  	_ =	shalt  }
0x58: {  	_ =	shalt  }
0x59: {  	_ =	shalt  }
0x5a: {  	_ =	shalt  }
0x5b: {  	_ =	shalt  }
0x5c: {  	_ =	shalt  }
0x5d: {  	_ =	shalt  }
0x5e: {  	_ =	shalt  }
0x5f: {  	_ =	shalt  }
0x60: {  	_ =	shalt  }
0x61: {  	_ =	shalt  }
0x62: {  	_ =	shalt  }
0x63: {  	_ =	shalt  }
0x64: {  	_ =	shalt  }
0x65: {  	_ =	shalt  }
0x66: {  	_ =	shalt  }
0x67: {  	_ =	shalt  }
0x68: {  	_ =	shalt  }
0x69: {  	_ =	shalt  }
0x6a: {  	_ =	shalt  }
0x6b: {  	_ =	shalt  }
0x6c: {  	_ =	shalt  }
0x6d: {  	_ =	shalt  }
0x6e: {  	_ =	shalt  }
0x6f: {  	_ =	shalt  }
0x70: {  	_ =	shalt  }
0x71: {  	_ =	shalt  }
0x72: {  	_ =	shalt  }
0x73: {  	_ =	shalt  }
0x74: {  	_ =	shalt  }
0x75: {  	_ =	shalt  }
0x76: {  	_ =	shalt  }
0x77: {  	_ =	shalt  }
0x78: {  	_ =	shalt  }
0x79: {  	_ =	shalt  }
0x7a: {  	_ =	shalt  }
0x7b: {  	_ =	shalt  }
0x7c: {  	_ =	shalt  }
0x7d: {  	_ =	shalt  }
0x7e: {  	_ =	shalt  }
0x7f: {  	_ =	shalt  }
0x80: {  	_ =	shalt  }
0x81: {  	_ =	shalt  }
0x82: {  	_ =	shalt  }
0x83: {  	_ =	shalt  }
0x84: {  	_ =	shalt  }
0x85: {  	_ =	shalt  }
0x86: {  	_ =	shalt  }
0x87: {  	_ =	shalt  }
.Lfunc_end0:
.L_simem_size_0:
called_computation_lowered:
.L_overlay_start_0:
0x88: {  	s2 =	sld [smem:$0x3FD9]  }
0x89: {  	s3 =	sld [smem:$0x3FFE];
	_ =	sdelay $0x1  }
0x8a: {  	s1 =	srdreg.scid  }
0x8b: {  	s0 =	sand.u32 $0x1, s1  }
0x8c: {  	s17 =	sshll.u32 s0, $0xA;
	s2 =	sadd.s32 s3, s2  }
0x8d: {  	s2 =	sadd.s32 s2, s17  }
0x8e: {  	[smem:$0x3FC4] =	sst s2  }
0x8f: {  	_ = 	snop  }
0x90: {  	s2 =	sld [smem:$0x3FD0];
	(tm) =	ssettm $0x1  }
0x91: {  	s18 =	sld [smem:$0x3FFB];
	_ =	sdelay $0x3  }
0x92: {  	_ =	strace s18  }
0x93: {  	s3 =	sld [smem:$0x3FFC];
	_ =	sdelay $0x3  }
0x94: {  	_ =	strace s3  }
0x95: {  	s3 =	sld [smem:$0x3FFD];
	_ =	sdelay $0x3  }
0x96: {  	_ =	strace s3  }
0x97: {  	_ =	strace $0x8FFFFFFF  }
0x98: {  	s19 =	sld [smem:$0x3FDB];
	_ =	sdelay $0x1  }
0x99: {  	s4 =	simm.s32 $_scs_section_size  }
0x9a: {  	s5 =	simm.s32 $_size__tile_overlayer_lowered;
	s6 =	simm.s32 $_tile_overlayer_lowered  }
0x9b: {  	s22 =	simm.s32 $0x1BFF;
	s21 =	sshll.u32 s6, $0x1;
	s3 =	sadd.s32 s4, s19  }
0x9c: {  	s7 =	simm.s32 $0x0;
	s20 =	sshll.u32 s5, $0x1;
	s5 =	sadd.s32 s21, s3  }
0x9d: {  	[timem:s7], [sflag:s22] =	dma.local [hbm:s5], s20  }
0x9e: {  	_ =	swait.ge [sflag:s22], s20  }
0x9f: {  	s4 =	ssub.s32 $0x0, s20;
	[sflag:s22] =	ssyncset.done $0x0  }
0xa0: {  	[sflag:s22] =	ssyncadd.s32 s4;
	_ =	sdelay $0x1  }
0xa1: {  	s23 =	simm.s32 $0x1B8B  }
0xa2: {  	_ =	swait.ge [sflag:s23], $0x1  }
0xa3: {  	[sflag:s23] =	ssyncset.done $0x0  }
0xa4: {  	s25 =	simm.s32 $0x1B8E;
	s24 =	sld [smem:$0x3FFE];
	[sflag:s23] =	ssyncadd.s32 $0xFFFFFFFF  }
0xa5: {  	s26 =	simm.s32 $execute0_lowered;
	[smem:$0x3FD2] =	sst s25  }
0xa6: {  	s5 =	sshll.u32 s26, $0x1;
	_ =	strace $0x80000046;
	[dreg:$0x1] =	wrdreg $0xFFFFFFFF  }
0xa7: {  	s28 =	simm.s32 $_size_execute0_lowered;
	s3 =	sadd.s32 s3, s5;
	[dreg:$0x0] =	wrdreg $0x0  }
0xa8: {  	s5 =	sshll.u32 s28, $0x1;
	[dreg:$0x2] =	wrdreg s3  }
0xa9: {  	[dreg:$0x3] =	wrdreg s5  }
0xaa: {  	[dreg:$0x4] =	wrdreg $0xC0  }
0xab: {  	_ =	task [dreg:s7], $0x5FFFF  }
0xac: {  	[dreg:$0x1] =	wrdreg $0xFFFFFFFF  }
0xad: {  	[dreg:$0x0] =	wrdreg $0x60  }
0xae: {  	[dreg:$0x2] =	wrdreg s24  }
0xaf: {  	[dreg:$0x3] =	wrdreg s2  }
0xb0: {  	[dreg:$0x4] =	wrdreg $0xB8200  }
0xb1: {  	[dreg:$0x5] =	wrdreg $0x1F0A00  }
0xb2: {  	[dreg:$0x6] =	wrdreg $0x9  }
0xb3: {  	_ =	task.clear_ibuf [dreg:s7], $0x7FFFF;
	_ =	strace $0x90000046  }
0xb4: {  	s29 =	simm.s32 $0x9;
	_ =	strace $0x80000048  }
0xb5: {  	_ =	swait.ge [sflag:s29], $0x1  }
0xb6: {  	[sflag:s29] =	ssyncadd.s32 $0xFFFFFFFF  }
0xb7: {  	_ =	strace $0x90000048  }
0xb8: {  	_ =	sfence  }
0xb9: {  	s30 =	sld [smem:$0x0];
	_ =	sdelay $0x2  }
0xba: {  	s31 =	sshll.u32 s1, $0xD;
	s1 =	sshrl.u32 s1, $0x2  }
0xbb: {  	s3 =	sand.u32 $0x4000, s31;
	s1 =	sadd.s32 s1, s30  }
0xbc: {  	s0 =	sor.u32 s3, s0;
	s1 =	sshll.u32 s1, $0x11  }
0xbd: {  	s0 =	sor.u32 s1, s0  }
0xbe: {  	s0 =	sadd.s32 $0x8F2B, s0  }
0xbf: {  	[sflag:s0] =	ssyncadd.remote.s32 $0x1  }
0xc0: {  	_ =	sfence.sel $0xFFFF  }
0xc1: {  	[dreg:$0x0] =	wrdreg $0xFFFFFFFF;
	(pc) =	sbr.abs _section_cstart, $3  }
0xc2: {  	[dreg:$0x1] =	wrdreg $0xFFFFFFFF  }
0xc3: {  	_ =	task.clear_ibuf [dreg:s7], $0x2FFFF;
	_ =	strace $0x9FFFFFFF  }
0xc4: {  	(tm) =	ssettm $0x7FFFFFFF  }
0xc5: {  	_ =	shalt  }
tec
execute0_lowered:
.L_overlay_start_1:
0x0: {  	(tag) =	ssettag $0x1  }
0x1: {  	s0 =	rddreg [dreg:$0x0]  }
0x2: {  	s1 =	rddreg [dreg:$0x1]  }
0x3: {  	s2 =	rddreg [dreg:$0x2]  }
0x4: {  	s4 =	rddreg [dreg:$0x3];
	s5 =	simm.s32 $0x0;
	s3 =	srdreg.scid  }
0x5: {  	s12 =	stileid.u32;
	s28 =	simm.s32 $0xB5A0;
	s29 =	simm.s32 $0x4E30  }
0x6: {  	s30 =	simm.s32 $0x4E80;
	s31 =	simm.s32 $0x50;
	[smem:$0x7FF] =	sst s5  }
0x7: {  	s3 =	sand.u32 $0x1, s3;
	s6 =	smul.u32 $0x280, s12;
	s8 =	sadd.s32 $0x14600, s0  }
0x8: {  	s24 =	sadd.s32 $0x15000, s0;
	s9 =	sadd.s32 $0xA00, s0;
	s17 =	sadd.s32 $0x15C00, s0  }
0x9: {  	s16 =	smul.u32 $0x13880, s12;
	_ =	strace $0x80000047;
	[dreg:$0x5] =	wrdreg s8  }
0xa: {  	s7 =	smul.u32 $0x2800, s3;
	[dreg:$0x6] =	wrdreg s24;
	s8 =	sadd.s32 $0xA800, s0  }
0xb: {  	s10 =	ssub.s32 $0x2, s3;
	s11 =	sshll.u32 s3, $0x4;
	s3 =	smul.u32 $0x138800, s3  }
0xc: {  	s25 =	sshrl.u32 s10, $0x1;
	s18 =	sor.u32 s12, s11;
	s19 =	sadd.s32 $0x3E80, s16  }
0xd: {  	s20 =	sadd.s32 $0x7D00, s16;
	s21 =	sadd.s32 $0xBB80, s16;
	s22 =	sadd.s32 $0xFA00, s16  }
0xe: {  	s15 =	sadd.s32 s6, s4;
	s7 =	sadd.s32 s6, s7;
	s11 =	sadd.s32 s19, s2  }
0xf: {  	s12 =	sadd.s32 s20, s2;
	s13 =	sadd.s32 s21, s2;
	s14 =	sadd.s32 s22, s2  }
0x10: {  	s26 =	sadd.s32 s16, s3;
	s19 =	sadd.s32 s3, s19;
	s24 =	sadd.s32 s3, s20  }
0x11: {  	s7 =	sshrl.u32 s7, $0x3;
	s6 =	sshrl.u32 s26, $0x3;
	s19 =	sshrl.u32 s19, $0x3  }
0x12: {  	s0 =	sadd.s32 s7, s0;
	s7 =	ssub.s32 s10, s25;
	s10 =	sadd.s32 s16, s2  }
0x13: {  	s16 =	smul.u32 $0x2710, s18;
	s6 =	sadd.s32 s17, s6;
	s23 =	sadd.s32 s17, s19  }
0x14: {  	s25 =	sadd.s32 s3, s21;
	s3 =	sadd.s32 s3, s22;
	[dreg:$0x7] =	wrdreg s6  }
0x15: {  	[dreg:$0x8] =	wrdreg s23;
	s6 =	sshrl.u32 s24, $0x3;
	s26 =	sshrl.u32 s25, $0x3  }
0x16: {  	s3 =	sshrl.u32 s3, $0x3;
	s22 =	sadd.s32 $0x15200, s0;
	s23 =	smax.u32 s7, $0x1  }
0x17: {  	s24 =	simm.s32 $0x2;
	s0 =	simm.s32 $0x4ED0;
	s6 =	sadd.s32 s17, s6  }
0x18: {  	s25 =	simm.s32 $0x76D0;
	s3 =	sadd.s32 s17, s3;
	[dreg:$0x9] =	wrdreg s6  }
0x19: {  	s6 =	sadd.s32 s17, s26;
	[dreg:$0xb] =	wrdreg s3;
	s26 =	simm.s32 $0x7720  }
0x1a: {  	v0 =	vimm.f32 $0.0e+00;
	s3 =	simm.s32 $0x1;
	[dreg:$0xa] =	wrdreg s6;
	s6 =	simm.s32 $0x0  }
.LBB2_1:
0x1b: {  	s7 =	rddreg [dreg:$0x5]  }
0x1c: {  	[tilespmem:s5], [sflag:$0x2] =	stream.linear.gather [hbm4b:s7+s5], $0x4E20, $0x38;
	[tilespmem:$0x1F320] =	vst v63  }
0x1d: {  	_ =	swait.ge [sflag:s24], $0x4E20  }
0x1e: {  	[sflag:s24] =	ssyncset.done $0x0  }
0x1f: {  	s17 =	simm.s32 $0x4E20;
	s21 =	rddreg [dreg:$0x6];
	[sflag:s24] =	ssyncadd.s32 $0xFFFFB1E0  }
0x20: {  	[tilespmem:s17], [sflag:$0x2] =	stream.linear.gather [hbm4b:s21+s5], $0x10, $0x38;
	[tilespmem:$0x1F320] =	vst v63  }
0x21: {  	_ =	swait.ge [sflag:s24], $0x10  }
0x22: {  	[sflag:s24] =	ssyncset.done $0x0  }
0x23: {  	s7 =	simm.s32 $0x0;
	s17 =	simm.s32 $0x200;
	[sflag:s24] =	ssyncadd.s32 $0xFFFFFFF0  }
.LBB2_2:
0x24: {  	p0 =	sne.s32 s17, $0xF800;
	[tilespmem:s7+$0x7790] =	vst v0  }
0x25: {  	[tilespmem:s7+$0x7720] =	vst v0  }
0x26: {  	[tilespmem:s7+$0x7730] =	vst v0  }
.Ltmp0:
0x27: {  	[tilespmem:s7+$0x7740] =	vst v0;
	(pc) =	sbr.rel @p0 .LBB2_2-.Ltmp0, $4  }
0x28: {  	[tilespmem:s7+$0x7750] =	vst v0  }
0x29: {  	[tilespmem:s7+$0x7760] =	vst v0  }
0x2a: {  	[tilespmem:s7+$0x7770] =	vst v0  }
0x2b: {  	[tilespmem:s7+$0x7780] =	vst v0;
	s7 =	sshra.s32 s17, $0x2;
	s17 =	sadd.s32 $0x200, s17  }
0x2c: {  	[tilespmem:s7+$0x7790] =	vst v0  }
0x2d: {  	[tilespmem:s7+$0x7720] =	vst v0  }
0x2e: {  	[tilespmem:s7+$0x7730] =	vst v0  }
0x2f: {  	[tilespmem:s7+$0x7740] =	vst v0  }
0x30: {  	[tilespmem:s7+$0x7750] =	vst v0  }
0x31: {  	[tilespmem:s7+$0x7760] =	vst v0  }
0x32: {  	[tilespmem:s7+$0x7770] =	vst v0  }
0x33: {  	[tilespmem:s7+$0x7780] =	vst v0  }
0x34: {  	[tilespmem:$0xB5A0] =	vst v0  }
0x35: {  	[tilespmem:$0xB5B0] =	vst v0  }
0x36: {  	[tilespmem:$0xB5C0] =	vst v0  }
0x37: {  	[tilespmem:$0xB5D0] =	vst v0  }
0x38: {  	[tilespmem:$0xB5E0] =	vst v0  }
0x39: {  	[tilespmem:$0xB5F0] =	vst v0  }
0x3a: {  	[tilespmem:$0xB600] =	vst v0  }
0x3b: {  	[tilespmem:$0xB610] =	vst v0  }
0x3c: {  	[tilespmem:$0xB620] =	vst v0  }
0x3d: {  	[tilespmem:$0xB630] =	vst v0  }
0x3e: {  	[tilespmem:$0xB640] =	vst v0  }
0x3f: {  	[tilespmem:$0xB650] =	vst v0  }
0x40: {  	[tilespmem:$0xB660] =	vst v0  }
0x41: {  	[tilespmem:$0xB670] =	vst v0  }
0x42: {  	[tilespmem:$0xB680] =	vst v0  }
0x43: {  	[tilespmem:$0xB690] =	vst v0  }
0x44: {  	[tilespmem:$0xB6A0] =	vst v0  }
0x45: {  	[tilespmem:$0xB6B0] =	vst v0  }
0x46: {  	[tilespmem:$0xB6C0] =	vst v0  }
0x47: {  	[tilespmem:$0xB6D0] =	vst v0  }
0x48: {  	[tilespmem:$0xB6E0] =	vst v0  }
0x49: {  	[tilespmem:$0xB6F0] =	vst v0  }
0x4a: {  	[tilespmem:$0xB700] =	vst v0  }
0x4b: {  	[tilespmem:$0xB710] =	vst v0  }
0x4c: {  	[tilespmem:$0xB720] =	vst v0  }
0x4d: {  	[tilespmem:$0xB730] =	vst v0  }
0x4e: {  	[tilespmem:$0xB740] =	vst v0  }
0x4f: {  	[tilespmem:$0xB750] =	vst v0  }
0x50: {  	[tilespmem:$0xB760] =	vst v0  }
0x51: {  	[tilespmem:$0xB770] =	vst v0  }
0x52: {  	[tilespmem:$0xB780] =	vst v0  }
0x53: {  	[tilespmem:$0xB790] =	vst v0  }
0x54: {  	[tilespmem:$0xB7A0] =	vst v0  }
0x55: {  	[tilespmem:$0xB7B0] =	vst v0  }
0x56: {  	[tilespmem:$0xB7C0] =	vst v0  }
0x57: {  	[tilespmem:$0xB7D0] =	vst v0  }
0x58: {  	[tilespmem:$0xB7E0] =	vst v0  }
0x59: {  	[tilespmem:$0xB7F0] =	vst v0  }
0x5a: {  	[tilespmem:$0xB800] =	vst v0  }
0x5b: {  	[tilespmem:$0xB810] =	vst v0  }
0x5c: {  	[spmem:s10] =	stream.linear.scatter [tilespmem:s26], [sflag:$0x2], $0x3E80, $0x38;
	[tilespmem:$0x1F320] =	vst v63  }
0x5d: {  	_ =	swait.ge [sflag:s24], $0x3E80  }
0x5e: {  	[sflag:s24] =	ssyncset.done $0x0  }
0x5f: {  	[sflag:s24] =	ssyncadd.s32 $0xFFFFC180  }
0x60: {  	[spmem:s11] =	stream.linear.scatter [tilespmem:s26], [sflag:$0x2], $0x3E80, $0x38;
	[tilespmem:$0x1F320] =	vst v63  }
0x61: {  	_ =	swait.ge [sflag:s24], $0x3E80  }
0x62: {  	[sflag:s24] =	ssyncset.done $0x0  }
0x63: {  	[sflag:s24] =	ssyncadd.s32 $0xFFFFC180  }
0x64: {  	[spmem:s12] =	stream.linear.scatter [tilespmem:s26], [sflag:$0x2], $0x3E80, $0x38;
	[tilespmem:$0x1F320] =	vst v63  }
0x65: {  	_ =	swait.ge [sflag:s24], $0x3E80  }
0x66: {  	[sflag:s24] =	ssyncset.done $0x0  }
0x67: {  	[sflag:s24] =	ssyncadd.s32 $0xFFFFC180  }
0x68: {  	[spmem:s13] =	stream.linear.scatter [tilespmem:s26], [sflag:$0x2], $0x3E80, $0x38;
	[tilespmem:$0x1F320] =	vst v63  }
0x69: {  	_ =	swait.ge [sflag:s24], $0x3E80  }
0x6a: {  	[sflag:s24] =	ssyncset.done $0x0  }
0x6b: {  	[sflag:s24] =	ssyncadd.s32 $0xFFFFC180  }
0x6c: {  	[spmem:s14] =	stream.linear.scatter [tilespmem:s26], [sflag:$0x2], $0x3E80, $0x38;
	[tilespmem:$0x1F320] =	vst v63  }
0x6d: {  	_ =	swait.ge [sflag:s24], $0x3E80  }
0x6e: {  	[sflag:s24] =	ssyncset.done $0x0  }
0x6f: {  	[sflag:s24] =	ssyncadd.s32 $0xFFFFC180  }
0x70: {  	[spmem:s15] =	stream.linear.scatter [tilespmem:s28], [sflag:$0x2], $0x280, $0x38;
	[tilespmem:$0x1F320] =	vst v63  }
0x71: {  	_ =	swait.ge [sflag:s24], $0x280  }
0x72: {  	[sflag:s24] =	ssyncset.done $0x0  }
0x73: {  	[sflag:s24] =	ssyncadd.s32 $0xFFFFFD80  }
0x74: {  	[bflag:$0x0] =	sbarrier.arrive $0xFFFF  }
0x75: {  	s7 =	simm.s32 $0x0;
	s17 =	simm.s32 $0x0;
	v1 =	vld [tilespmem:$0x4E20]  }
.LBB2_4:
0x76: {  	s18 =	smul.u32 $0x50, s17;
	_ =	sdelay $0x1  }
0x77: {  	s18 =	sadd.s32 s16, s18  }
0x78: {  	s18 =	sshrl.u32 s18, $0x3  }
0x79: {  	s19 =	sadd.s32 s8, s18  }
0x7a: {  	[tilespmem:s29], [sflag:$0x2] =	stream.linear.gather [hbm4b:s19+s7], $0x50, $0x38;
	[tilespmem:$0x1F320] =	vst v63  }
0x7b: {  	_ =	swait.ge [sflag:s24], $0x50  }
0x7c: {  	[sflag:s24] =	ssyncset.done $0x0  }
0x7d: {  	s18 =	sadd.s32 s9, s18;
	[sflag:s24] =	ssyncadd.s32 $0xFFFFFFB0  }
0x7e: {  	[tilespmem:s30], [sflag:$0x2] =	stream.linear.gather [hbm4b:s18+s7], $0x50, $0x38;
	[tilespmem:$0x1F320] =	vst v63  }
0x7f: {  	_ =	swait.ge [sflag:s24], $0x50  }
0x80: {  	[sflag:s24] =	ssyncset.done $0x0  }
0x81: {  	[sflag:s24] =	ssyncadd.s32 $0xFFFFFFB0  }
0x82: {  	[tilespmem:s0], [sflag:$0x1] =	stream.indirect.gather [hbm4b:s1+s31], $0x80, s30, s31, $0xb8;
	[tilespmem:$0x1F320] =	vst v63  }
0x83: {  	v2 =	vld [tilespmem:$0x4E30]  }
0x84: {  	v3 =	vld [tilespmem:$0x4E80];
	_ =	sdelay $0x4  }
0x85: {  	v2 =	vshll.u32 v2, $0x1;
	v3 =	vshll.u32 v3, $0x1  }
0x86: {  	v3 =	vor.u32 $0x1, v3;
	_ =	sdelay $0x3  }
0x87: {  	v2 =	vld.idx.msk [tilespmem:v2+s7+$0x0], $0xffff  }
0x88: {  	v3 =	vld.idx.msk [tilespmem:v3+s7+$0x0], $0xffff;
	_ =	sdelay $0x4  }
0x89: {  	v2 =	vadd.f32 v3, v2;
	_ =	sdelay $0x1  }
0x8a: {  	v3 =	vmul.f32 $2.000000030e-01, v2  }
0x8b: {  	vm0 =	vge.f32 v2, $0.0e+00  }
0x8c: {  	v2 =	vsel vm0, v2, v3  }
0x8d: {  	v2 =	vsub.f32 v2, v1;
	_ =	sdelay $0x1  }
0x8e: {  	v2 =	vmul.f32 $1.442695020e+00, v2;
	_ =	sdelay $0x1  }
0x8f: {  	v3 =	vld [tilespmem:$0x4E90];
	(erf) = vpow2.f32 v2  }
0x90: {  	v2 =	vld [tilespmem:$0x4E40];
	_ =	sdelay $0x4  }
0x91: {  	v3 =	vshll.u32 v3, $0x1;
	v2 =	vshll.u32 v2, $0x1  }
0x92: {  	v3 =	vor.u32 $0x1, v3;
	_ =	sdelay $0x1  }
0x93: {  	v4 =	vpop (erf)  }
0x94: {  	[tilespmem:$0x76D0] =	vst v4  }
0x95: {  	v2 =	vld.idx.msk [tilespmem:v2+s7+$0x0], $0xffff  }
0x96: {  	v3 =	vld.idx.msk [tilespmem:v3+s7+$0x0], $0xffff;
	_ =	sdelay $0x4  }
0x97: {  	v2 =	vadd.f32 v3, v2;
	_ =	sdelay $0x1  }
0x98: {  	v3 =	vmul.f32 $2.000000030e-01, v2  }
0x99: {  	vm12 =	vge.f32 v2, $0.0e+00  }
0x9a: {  	v2 =	vsel vm12, v2, v3  }
0x9b: {  	v2 =	vsub.f32 v2, v1;
	_ =	sdelay $0x1  }
0x9c: {  	v2 =	vmul.f32 $1.442695020e+00, v2;
	_ =	sdelay $0x1  }
0x9d: {  	v3 =	vld [tilespmem:$0x4EA0];
	(erf) = vpow2.f32 v2  }
0x9e: {  	v2 =	vld [tilespmem:$0x4E50];
	_ =	sdelay $0x4  }
0x9f: {  	v3 =	vshll.u32 v3, $0x1;
	v2 =	vshll.u32 v2, $0x1  }
0xa0: {  	v3 =	vor.u32 $0x1, v3;
	_ =	sdelay $0x1  }
0xa1: {  	v4 =	vpop (erf)  }
0xa2: {  	[tilespmem:$0x76E0] =	vst v4  }
0xa3: {  	v2 =	vld.idx.msk [tilespmem:v2+s7+$0x0], $0xffff  }
0xa4: {  	v3 =	vld.idx.msk [tilespmem:v3+s7+$0x0], $0xffff;
	_ =	sdelay $0x4  }
0xa5: {  	v2 =	vadd.f32 v3, v2;
	_ =	sdelay $0x1  }
0xa6: {  	v3 =	vmul.f32 $2.000000030e-01, v2  }
0xa7: {  	vm13 =	vge.f32 v2, $0.0e+00  }
0xa8: {  	v2 =	vsel vm13, v2, v3  }
0xa9: {  	v2 =	vsub.f32 v2, v1;
	_ =	sdelay $0x1  }
0xaa: {  	v2 =	vmul.f32 $1.442695020e+00, v2;
	_ =	sdelay $0x1  }
0xab: {  	v3 =	vld [tilespmem:$0x4EB0];
	(erf) = vpow2.f32 v2  }
0xac: {  	v2 =	vld [tilespmem:$0x4E60];
	_ =	sdelay $0x4  }
0xad: {  	v3 =	vshll.u32 v3, $0x1;
	v2 =	vshll.u32 v2, $0x1  }
0xae: {  	v3 =	vor.u32 $0x1, v3;
	_ =	sdelay $0x1  }
0xaf: {  	v4 =	vpop (erf)  }
0xb0: {  	[tilespmem:$0x76F0] =	vst v4  }
0xb1: {  	v2 =	vld.idx.msk [tilespmem:v2+s7+$0x0], $0xffff  }
0xb2: {  	v3 =	vld.idx.msk [tilespmem:v3+s7+$0x0], $0xffff;
	_ =	sdelay $0x4  }
0xb3: {  	v2 =	vadd.f32 v3, v2;
	_ =	sdelay $0x1  }
0xb4: {  	v3 =	vmul.f32 $2.000000030e-01, v2  }
0xb5: {  	vm14 =	vge.f32 v2, $0.0e+00  }
0xb6: {  	v2 =	vsel vm14, v2, v3  }
0xb7: {  	v2 =	vsub.f32 v2, v1;
	_ =	sdelay $0x1  }
0xb8: {  	v2 =	vmul.f32 $1.442695020e+00, v2;
	_ =	sdelay $0x1  }
0xb9: {  	v3 =	vld [tilespmem:$0x4EC0];
	(erf) = vpow2.f32 v2  }
0xba: {  	v2 =	vld [tilespmem:$0x4E70];
	_ =	sdelay $0x4  }
0xbb: {  	v3 =	vshll.u32 v3, $0x1;
	v2 =	vshll.u32 v2, $0x1  }
0xbc: {  	v3 =	vor.u32 $0x1, v3;
	_ =	sdelay $0x1  }
0xbd: {  	v4 =	vpop (erf)  }
0xbe: {  	[tilespmem:$0x7700] =	vst v4  }
0xbf: {  	v2 =	vld.idx.msk [tilespmem:v2+s7+$0x0], $0xffff  }
0xc0: {  	v3 =	vld.idx.msk [tilespmem:v3+s7+$0x0], $0xffff;
	_ =	sdelay $0x4  }
0xc1: {  	v2 =	vadd.f32 v3, v2;
	_ =	sdelay $0x1  }
0xc2: {  	v3 =	vmul.f32 $2.000000030e-01, v2  }
0xc3: {  	vm15 =	vge.f32 v2, $0.0e+00  }
0xc4: {  	v2 =	vsel vm15, v2, v3  }
0xc5: {  	v2 =	vsub.f32 v2, v1;
	_ =	sdelay $0x1  }
0xc6: {  	v2 =	vmul.f32 $1.442695020e+00, v2;
	_ =	sdelay $0x1  }
0xc7: {  	(erf) = vpow2.f32 v2;
	_ =	sdelay $0x8  }
0xc8: {  	v2 =	vpop (erf)  }
0xc9: {  	[tilespmem:$0x7710] =	vst v2  }
0xca: {  	_ =	swait.ge [sflag:s3], $0x2800  }
0xcb: {  	v2 =	vmov s7;
	[sflag:s3] =	ssyncset.done $0x0  }
0xcc: {  	s18 =	simm.s32 $0x4F10;
	[sflag:s3] =	ssyncadd.s32 $0xFFFFD800  }
0xcd: {  	v6 =	vld [tilespmem:s18+$0x30]  }
0xce: {  	v9 =	vld [tilespmem:s18+$0x10]  }
0xcf: {  	v7 =	vld [tilespmem:s18+$0xFFFFFFC0]  }
0xd0: {  	v3 =	vld.idx.msk [tilespmem:v2+s25+$0x0], $0xffff  }
0xd1: {  	v11 =	vld [tilespmem:s18+$0xFFFFFFE0]  }
0xd2: {  	v4 =	vld [tilespmem:s18+$0x20]  }
0xd3: {  	v5 =	vld [tilespmem:s18+$0xFFFFFFD0]  }
0xd4: {  	v2 =	vld [tilespmem:s18+$0xFFFFFFF0]  }
0xd5: {  	v10 =	vmul.f32 v6, v3;
	v6 =	vld [tilespmem:s18+$0x0]  }
0xd6: {  	v8 =	vmul.f32 v7, v3  }
0xd7: {  	s20 =	simm.s32 $0x4F10;
	s19 =	simm.s32 $0x1;
	v7 =	vmul.f32 v11, v3;
	v9 =	vmul.f32 v9, v3  }
.LBB2_5:
0xd8: {  	p0 =	sne.s32 s19, $0x4F  }
0xd9: {  	v5 =	vmul.f32 v5, v3;
	v4 =	vmul.f32 v4, v3;
	[tilespmem:s18+$0x30] =	vst v10;
	s20 =	sadd.s32 $0x80, s20;
	s21 =	smov.u32 s19;
	s19 =	sadd.s32 $0x1, s19  }
0xda: {  	[tilespmem:s18+$0xFFFFFFC0] =	vst v8;
	v8 =	vmul.f32 v2, v3;
	v3 =	vmul.f32 v6, v3  }
0xdb: {  	[tilespmem:s18+$0x10] =	vst v9  }
0xdc: {  	v6 =	vmov s21;
	[tilespmem:s18+$0xFFFFFFE0] =	vst v7  }
0xdd: {  	v2 =	vld [tilespmem:s20+$0xFFFFFFF0];
	[tilespmem:s18+$0xFFFFFFF0] =	vst v8  }
0xde: {  	v7 =	vld [tilespmem:s20+$0x30];
	[tilespmem:s18+$0x0] =	vst v3  }
0xdf: {  	v9 =	vld [tilespmem:s20+$0x10];
	[tilespmem:s18+$0x20] =	vst v4  }
0xe0: {  	v8 =	vld [tilespmem:s20+$0xFFFFFFC0];
	[tilespmem:s18+$0xFFFFFFD0] =	vst v5;
	s18 =	smov.u32 s20  }
0xe1: {  	v3 =	vld.idx.msk [tilespmem:v6+s25+$0x0], $0xffff  }
0xe2: {  	v11 =	vld [tilespmem:s20+$0xFFFFFFE0]  }
0xe3: {  	v4 =	vld [tilespmem:s20+$0x20]  }
.Ltmp1:
0xe4: {  	v5 =	vld [tilespmem:s20+$0xFFFFFFD0];
	(pc) =	sbr.rel @p0 .LBB2_5-.Ltmp1, $3  }
0xe5: {  	v6 =	vld [tilespmem:s20+$0x0];
	_ =	sdelay $0x1  }
0xe6: {  	v8 =	vmul.f32 v8, v3;
	v10 =	vmul.f32 v7, v3  }
0xe7: {  	v9 =	vmul.f32 v9, v3;
	v7 =	vmul.f32 v11, v3  }
0xe8: {  	[tilespmem:s18+$0x30] =	vst v10  }
0xe9: {  	[tilespmem:s18+$0xFFFFFFC0] =	vst v8  }
0xea: {  	v2 =	vmul.f32 v2, v3;
	[tilespmem:s18+$0x10] =	vst v9  }
0xeb: {  	v4 =	vmul.f32 v4, v3;
	[tilespmem:s18+$0xFFFFFFE0] =	vst v7  }
0xec: {  	v6 =	vmul.f32 v6, v3;
	[tilespmem:s18+$0xFFFFFFF0] =	vst v2  }
0xed: {  	v2 =	vmul.f32 v5, v3;
	[tilespmem:s18+$0x20] =	vst v4  }
0xee: {  	[tilespmem:s18+$0x0] =	vst v6  }
0xef: {  	[tilespmem:s18+$0xFFFFFFD0] =	vst v2  }
0xf0: {  	[spmem:s2] =	stream.indirect.scatter.add.f32 [tilespmem:s0], [sflag:$0x2], $0x80, s29, s31, $0xb8;
	[tilespmem:$0x1F320] =	vst v63  }
0xf1: {  	s17 =	sadd.s32 $0x1, s17;
	_ =	swait.ge [sflag:s24], $0x2800  }
0xf2: {  	p0 =	sne.s32 s17, $0x7D;
	[sflag:s24] =	ssyncset.done $0x0  }
.Ltmp2:
0xf3: {  	[sflag:s24] =	ssyncadd.s32 $0xFFFFD800;
	(pc) =	sbr.rel @p0 .LBB2_4-.Ltmp2, $4  }
0xf4: {  	[spmem:s4] =	stream.indirect.scatter.add.f32 [tilespmem:s25], [sflag:$0x2], $0x1, s29, s31, $0xb8;
	[tilespmem:$0x1F320] =	vst v63  }
0xf5: {  	_ =	swait.ge [sflag:s24], $0x50  }
0xf6: {  	[sflag:s24] =	ssyncset.done $0x0  }
0xf7: {  	[sflag:s24] =	ssyncadd.s32 $0xFFFFFFB0  }
0xf8: {  	[bflag:$0x0] =	sbarrier.arrive $0xFFFF  }
0xf9: {  	[tilespmem:s26], [sflag:$0x2] =	stream.linear.gather [spmem:s10], $0x3E80, $0x38;
	[tilespmem:$0x1F320] =	vst v63  }
0xfa: {  	_ =	swait.ge [sflag:s24], $0x3E80  }
0xfb: {  	[sflag:s24] =	ssyncset.done $0x0  }
0xfc: {  	s7 =	rddreg [dreg:$0x7];
	[sflag:s24] =	ssyncadd.s32 $0xFFFFC180  }
0xfd: {  	[hbm4b:s7+s5] =	stream.linear.scatter [tilespmem:s26], [sflag:$0x2], $0x3E80, $0x38;
	[tilespmem:$0x1F320] =	vst v63  }
0xfe: {  	_ =	swait.ge [sflag:s24], $0x3E80  }
0xff: {  	[sflag:s24] =	ssyncset.done $0x0  }
0x100: {  	[sflag:s24] =	ssyncadd.s32 $0xFFFFC180  }
0x101: {  	[tilespmem:s26], [sflag:$0x2] =	stream.linear.gather [spmem:s11], $0x3E80, $0x38;
	[tilespmem:$0x1F320] =	vst v63  }
0x102: {  	_ =	swait.ge [sflag:s24], $0x3E80  }
0x103: {  	[sflag:s24] =	ssyncset.done $0x0  }
0x104: {  	s18 =	rddreg [dreg:$0x8];
	[sflag:s24] =	ssyncadd.s32 $0xFFFFC180  }
0x105: {  	[hbm4b:s18+s5] =	stream.linear.scatter [tilespmem:s26], [sflag:$0x2], $0x3E80, $0x38;
	[tilespmem:$0x1F320] =	vst v63  }
0x106: {  	_ =	swait.ge [sflag:s24], $0x3E80  }
0x107: {  	[sflag:s24] =	ssyncset.done $0x0  }
0x108: {  	[sflag:s24] =	ssyncadd.s32 $0xFFFFC180  }
0x109: {  	[tilespmem:s26], [sflag:$0x2] =	stream.linear.gather [spmem:s12], $0x3E80, $0x38;
	[tilespmem:$0x1F320] =	vst v63  }
0x10a: {  	_ =	swait.ge [sflag:s24], $0x3E80  }
0x10b: {  	[sflag:s24] =	ssyncset.done $0x0  }
0x10c: {  	s19 =	rddreg [dreg:$0x9];
	[sflag:s24] =	ssyncadd.s32 $0xFFFFC180  }
0x10d: {  	[hbm4b:s19+s5] =	stream.linear.scatter [tilespmem:s26], [sflag:$0x2], $0x3E80, $0x38;
	[tilespmem:$0x1F320] =	vst v63  }
0x10e: {  	_ =	swait.ge [sflag:s24], $0x3E80  }
0x10f: {  	[sflag:s24] =	ssyncset.done $0x0  }
0x110: {  	[sflag:s24] =	ssyncadd.s32 $0xFFFFC180  }
0x111: {  	[tilespmem:s26], [sflag:$0x2] =	stream.linear.gather [spmem:s13], $0x3E80, $0x38;
	[tilespmem:$0x1F320] =	vst v63  }
0x112: {  	_ =	swait.ge [sflag:s24], $0x3E80  }
0x113: {  	[sflag:s24] =	ssyncset.done $0x0  }
0x114: {  	s20 =	rddreg [dreg:$0xa];
	[sflag:s24] =	ssyncadd.s32 $0xFFFFC180  }
0x115: {  	[hbm4b:s20+s5] =	stream.linear.scatter [tilespmem:s26], [sflag:$0x2], $0x3E80, $0x38;
	[tilespmem:$0x1F320] =	vst v63  }
0x116: {  	_ =	swait.ge [sflag:s24], $0x3E80  }
0x117: {  	[sflag:s24] =	ssyncset.done $0x0  }
0x118: {  	[sflag:s24] =	ssyncadd.s32 $0xFFFFC180  }
0x119: {  	[tilespmem:s26], [sflag:$0x2] =	stream.linear.gather [spmem:s14], $0x3E80, $0x38;
	[tilespmem:$0x1F320] =	vst v63  }
0x11a: {  	_ =	swait.ge [sflag:s24], $0x3E80  }
0x11b: {  	[sflag:s24] =	ssyncset.done $0x0  }
0x11c: {  	s21 =	rddreg [dreg:$0xb];
	[sflag:s24] =	ssyncadd.s32 $0xFFFFC180  }
0x11d: {  	[hbm4b:s21+s5] =	stream.linear.scatter [tilespmem:s26], [sflag:$0x2], $0x3E80, $0x38;
	[tilespmem:$0x1F320] =	vst v63  }
0x11e: {  	_ =	swait.ge [sflag:s24], $0x3E80  }
0x11f: {  	[sflag:s24] =	ssyncset.done $0x0  }
0x120: {  	[sflag:s24] =	ssyncadd.s32 $0xFFFFC180  }
0x121: {  	[tilespmem:s28], [sflag:$0x2] =	stream.linear.gather [spmem:s15], $0x280, $0x38;
	[tilespmem:$0x1F320] =	vst v63  }
0x122: {  	s6 =	sadd.s32 $0x1, s6;
	_ =	swait.ge [sflag:s24], $0x280  }
0x123: {  	p0 =	sne.s32 s6, s23;
	[sflag:s24] =	ssyncset.done $0x0  }
.Ltmp3:
0x124: {  	[sflag:s24] =	ssyncadd.s32 $0xFFFFFD80;
	(pc) =	sbr.rel @p0 .LBB2_1-.Ltmp3, $4  }
0x125: {  	[hbm4b:s22+s5] =	stream.linear.scatter [tilespmem:s28], [sflag:$0x2], $0x280, $0x38;
	[tilespmem:$0x1F320] =	vst v63  }
0x126: {  	_ =	swait.ge [sflag:s24], $0x280  }
0x127: {  	[sflag:s24] =	ssyncset.done $0x0  }
0x128: {  	[sflag:s24] =	ssyncadd.s32 $0xFFFFFD80  }
0x129: {  	_ =	sfence.sel $0x180000  }
0x12a: {  	[bflag:$0x0] =	sbarrier.arrive $0xFFFF  }
0x12b: {  	_ =	strace $0x90000047  }
0x12c: {  	s0 =	stileid.u32;
	[bflag:$0x2] =	sbarrier.arrive $0xFFFF  }
0x12d: {  	p0 =	sne.s32 s0, $0x0;
	s0 =	rddreg [dreg:$0x4]  }
0x12e: {  	s0 =	sadd.s32 @!p0 $0x100000, s0  }
0x12f: {  	[sflag:s0] =	ssyncadd.tile.s32 @!p0 $0x1;
	_ =	shalt  }
.Lfunc_end2:
_tile_overlayer_lowered:
.L_overlay_start_2:
0x130: {  	(tag) =	ssettag $0x2  }
0x131: {  	s0 =	rddreg [dreg:$0x0];
	s2 =	stileid.u32  }
0x132: {  	s1 =	rddreg [dreg:$0x1];
	p0 =	sne.s32 s2, $0x0  }
0x133: {  	s3 =	rddreg [dreg:$0x2];
	[bflag:$0x3] =	sbarrier.arrive $0xFFFF;
	s2 =	simm.s32 @!p0 $0x1C02  }
0x134: {  	[timem:s3], [sflag:s2] =	dma.local @!p0 [hbm:s0], s1  }
0x135: {  	s0 =	simm.s32 @!p0 $0x2  }
0x136: {  	_ =	swait.ge @!p0 [sflag:s0], s1  }
0x137: {  	s1 =	ssub.s32 @!p0 $0x0, s1;
	[sflag:s0] =	ssyncset.done @!p0 $0x0  }
0x138: {  	[sflag:s0] =	ssyncadd.s32 @!p0 s1  }
0x139: {  	[bflag:$0x3] =	sbarrier.arrive $0xFFFF  }
0x13a: {  	_ =	shalt  }

</sc_bundles>
